<compile_context>
chip_gen: v7x
topology: tpu7x:2x2x1
jax: 0.10.2.dev20260603
libtpu: 0.0.44.dev20260713+nightly
codegen_flags: <defaults>
</compile_context>

<pallas_src>
import math

import jax
import jax.numpy as jnp
from jax import lax
from jax.experimental import pallas as pl
from jax.experimental.pallas import tpu as pltpu
from jax.experimental.pallas import tpu_sc as plsc

D_MODEL = 64
LANES = 16
NC = 2
NS = 16
NW = NC * NS
CHUNK = 128
GPC = 2
SUP = CHUNK * GPC
SCALE = math.sqrt(D_MODEL)


def _body(table, toks, bias, out, idx_v, qb0, qb1, ob0, ob1, bias_v,
          gsem0, gsem1, osem0, osem1):
    n_chunks = toks.shape[1]
    n_sup = n_chunks // GPC
    n_pair = n_sup // 2
    qbs = (qb0, qb1)
    obs = (ob0, ob1)
    gsems = (gsem0, gsem1)
    osems = (osem0, osem1)
    wid = lax.axis_index("s") * NC + lax.axis_index("c")
    base = wid * n_chunks * CHUNK

    pltpu.sync_copy(toks.at[wid], idx_v)
    pltpu.sync_copy(bias, bias_v)
    b_regs = [bias_v[pl.ds(k * LANES, LANES)] for k in range(D_MODEL // LANES)]

    def fire(j, b):
        for i in range(GPC):
            pltpu.async_copy(
                table.at[idx_v.at[j * GPC + i]],
                qbs[b].at[pl.ds(i * CHUNK, CHUNK)],
                gsems[b],
            )

    def drain(j, b):
        for i in range(GPC):
            pltpu.make_async_copy(
                table.at[idx_v.at[j * GPC + i]],
                qbs[b].at[pl.ds(i * CHUNK, CHUNK)],
                gsems[b],
            ).wait()

    def fire_pair(q, p):
        pltpu.async_copy(
            obs[p],
            out.at[pl.ds(base + q * 2 * SUP, 2 * SUP)],
            osems[p],
        )

    def wait_pair(q, p):
        pltpu.make_async_copy(
            obs[p],
            out.at[pl.ds(base + q * 2 * SUP, 2 * SUP)],
            osems[p],
        ).wait()

    fire(0, 0)

    @pl.loop(0, n_sup)
    def _sup(j):
        for b in range(2):

            @pl.when(j % 2 == b)
            def _():
                @pl.when(j + 1 < n_sup)
                def _():
                    fire(j + 1, 1 - b)

                drain(j, b)

                for p in range(2):

                    @pl.when(((j // 2) % 2 == p) & (j % 2 == 0) & (j >= 4))
                    def _():
                        wait_pair(j // 2 - 2, p)

                for p in range(2):

                    @pl.when((j // 2) % 2 == p)
                    def _():
                        @plsc.parallel_loop(0, SUP, unroll=4)
                        def _row(r):
                            for k in range(D_MODEL // LANES):
                                sl = pl.ds(k * LANES, LANES)
                                obs[p][b * SUP + r, sl] = (
                                    qbs[b][r, sl] * SCALE + b_regs[k]
                                )

                        @pl.when(j % 2 == 1)
                        def _():
                            fire_pair(j // 2, p)

    wait_pair(n_pair - 2, (n_pair - 2) % 2)
    wait_pair(n_pair - 1, (n_pair - 1) % 2)


def kernel(tokens, embed_weights, embed_bias):
    n_tok = tokens.shape[0] * tokens.shape[1]
    rows_per_w = n_tok // NW
    n_chunks = rows_per_w // CHUNK
    toks3d = tokens.reshape(NW, n_chunks, CHUNK)

    mesh = plsc.VectorSubcoreMesh(
        core_axis_name="c", subcore_axis_name="s", num_cores=NC, num_subcores=NS
    )
    run = pl.kernel(
        _body,
        out_type=jax.ShapeDtypeStruct((n_tok, D_MODEL), jnp.float32),
        mesh=mesh,
        scratch_types=[
            pltpu.VMEM((n_chunks, CHUNK), jnp.int32),
            pltpu.VMEM((SUP, D_MODEL), jnp.float32),
            pltpu.VMEM((SUP, D_MODEL), jnp.float32),
            pltpu.VMEM((2 * SUP, D_MODEL), jnp.float32),
            pltpu.VMEM((2 * SUP, D_MODEL), jnp.float32),
            pltpu.VMEM((D_MODEL,), jnp.float32),
            pltpu.SemaphoreType.DMA,
            pltpu.SemaphoreType.DMA,
            pltpu.SemaphoreType.DMA,
            pltpu.SemaphoreType.DMA,
        ],
        compiler_params=pltpu.CompilerParams(use_tc_tiling_on_sc=False),
    )
    out = run(embed_weights, toks3d, embed_bias)
    return out.reshape(tokens.shape[0], tokens.shape[1], D_MODEL)

# --- scband reference (transcript-rebuilt; emitter-appended) ---
"""Pipeline reference for scband-embed-43714177139251 (READ-ONLY COPY).

The authoritative reference and input builder live on the scoring server;
editing this copy changes nothing except your own understanding.
"""

import math
import jax, jax.numpy as jnp
import numpy as np

D_VOCAB = 1000000
D_MODEL = 64

def setup_inputs(seed: int = 0) -> dict:
    key = jax.random.key(seed)
    k1, k2, k3 = jax.random.split(key, 3)
    tokens = jax.random.randint(k1, (4096, 200), 0, D_VOCAB, dtype=jnp.int64 if jax.config.jax_enable_x64 else jnp.int32).astype(jnp.int32)
    embed_weights = jax.random.normal(k2, (D_VOCAB, D_MODEL), dtype=jnp.float32) * 0.02
    embed_bias = jax.random.normal(k3, (D_MODEL,), dtype=jnp.float32) * 0.02
    return {"tokens": tokens, "embed_weights": embed_weights, "embed_bias": embed_bias}

def reference(tokens, embed_weights, embed_bias):
    # Faithful translation of Embed.forward:
    #   embed_pre_bias = embed_weights[tokens, :]
    #   return embed_pre_bias * sqrt(d_model) + embed_bias
    embed_pre_bias = jnp.take(embed_weights, tokens, axis=0)
    return embed_pre_bias * math.sqrt(D_MODEL) + embed_bias

if __name__ == "__main__":
    import jax
    _d = setup_inputs()
    print(jax.jit(kernel)(*tuple(_d.values())))

</pallas_src>

<mosaic_0001>
#map = affine_map<(d0, d1) -> (0, 0)>
#map1 = affine_map<(d0, d1) -> (0, 0, 0)>
#map2 = affine_map<(d0, d1) -> (0)>
module attributes {stable_mosaic.version = 14 : i64} {
  func.func @_body(%arg0: i32, %arg1: i32, %arg2: memref<1000000x64xf32, #tpu.memory_space<hbm>>, %arg3: memref<32x200x128xi32, #tpu.memory_space<hbm>>, %arg4: memref<64xf32, #tpu.memory_space<hbm>>, %arg5: memref<819200x64xf32, #tpu.memory_space<hbm>>, %arg6: memref<200x128xi32, #tpu.memory_space<vmem>>, %arg7: memref<256x64xf32, #tpu.memory_space<vmem>>, %arg8: memref<256x64xf32, #tpu.memory_space<vmem>>, %arg9: memref<512x64xf32, #tpu.memory_space<vmem>>, %arg10: memref<512x64xf32, #tpu.memory_space<vmem>>, %arg11: memref<64xf32, #tpu.memory_space<vmem>>, %arg12: memref<!tpu.dma_semaphore, #tpu.memory_space<semaphore_mem>>, %arg13: memref<!tpu.dma_semaphore, #tpu.memory_space<semaphore_mem>>, %arg14: memref<!tpu.dma_semaphore, #tpu.memory_space<semaphore_mem>>, %arg15: memref<!tpu.dma_semaphore, #tpu.memory_space<semaphore_mem>>) attributes {dimension_semantics = [#tpu.dimension_semantics<core_parallel>, #tpu.dimension_semantics<subcore_parallel>], iteration_bounds = array<i64: 2, 16>, scalar_prefetch = 0 : i64, scratch_operands = 10 : i64, tpu.core_type = #tpu.core_type<sc_vector_subcore>, window_params = [{transform_indices = #map}, {transform_indices = #map1}, {transform_indices = #map2}, {transform_indices = #map}]} {
    %mul3A = arith.constant 2 : i32
    %mul3A_0 = arith.muli %arg1, %mul3A : i32
    %add3A = arith.addi %mul3A_0, %arg0 : i32
    %mul3A_1 = arith.constant 200 : i32
    %mul3A_2 = arith.muli %add3A, %mul3A_1 : i32
    %mul3A_3 = arith.constant 128 : i32
    %mul3A_4 = arith.muli %mul3A_2, %mul3A_3 : i32
    "tpu.region"() ({
      %run_scoped3A = tpu.sem_alloc : memref<!tpu.dma_semaphore, #tpu.memory_space<semaphore_mem>>
      %dma_start3A_50 = arith.constant 0 : i32
      %dma_start3A_51 = arith.constant 0 : i32
      %dma_start3A_52 = tpu.memref_slice %arg3[%add3A, %dma_start3A_50, %dma_start3A_51] : memref<32x200x128xi32, #tpu.memory_space<hbm>> -> memref<1x200x128xi32, #tpu.memory_space<hbm>>
      %dma_start3A_53 = tpu.memref_squeeze %dma_start3A_52 : memref<1x200x128xi32, #tpu.memory_space<hbm>> -> memref<200x128xi32, #tpu.memory_space<hbm>>
      %dma_start3A_54 = arith.constant 0 : i32
      %dma_start3A_55 = arith.constant 0 : i32
      %dma_start3A_56 = tpu.memref_slice %arg3[%add3A, %dma_start3A_54, %dma_start3A_55] : memref<32x200x128xi32, #tpu.memory_space<hbm>> -> memref<1x200x128xi32, #tpu.memory_space<hbm>>
      %dma_start3A_57 = tpu.memref_squeeze %dma_start3A_56 : memref<1x200x128xi32, #tpu.memory_space<hbm>> -> memref<200x128xi32, #tpu.memory_space<hbm>>
      tpu.enqueue_dma source(%dma_start3A_57 : memref<200x128xi32, #tpu.memory_space<hbm>>) target(%arg6 : memref<200x128xi32, #tpu.memory_space<vmem>>) target_semaphore(%run_scoped3A : memref<!tpu.dma_semaphore, #tpu.memory_space<semaphore_mem>>)
      %dma_wait3A_58 = arith.constant 0 : i32
      %dma_wait3A_59 = arith.constant 0 : i32
      %dma_wait3A_60 = tpu.memref_slice %arg3[%add3A, %dma_wait3A_58, %dma_wait3A_59] : memref<32x200x128xi32, #tpu.memory_space<hbm>> -> memref<1x200x128xi32, #tpu.memory_space<hbm>>
      %dma_wait3A_61 = tpu.memref_squeeze %dma_wait3A_60 : memref<1x200x128xi32, #tpu.memory_space<hbm>> -> memref<200x128xi32, #tpu.memory_space<hbm>>
      %dma_wait3A_62 = arith.constant 0 : i32
      %dma_wait3A_63 = arith.constant 0 : i32
      %dma_wait3A_64 = tpu.memref_slice %arg3[%add3A, %dma_wait3A_62, %dma_wait3A_63] : memref<32x200x128xi32, #tpu.memory_space<hbm>> -> memref<1x200x128xi32, #tpu.memory_space<hbm>>
      %dma_wait3A_65 = tpu.memref_squeeze %dma_wait3A_64 : memref<1x200x128xi32, #tpu.memory_space<hbm>> -> memref<200x128xi32, #tpu.memory_space<hbm>>
      tpu.wait_dma2 semaphore(%run_scoped3A : memref<!tpu.dma_semaphore, #tpu.memory_space<semaphore_mem>>) src(%dma_wait3A_65 : memref<200x128xi32, #tpu.memory_space<hbm>>) dst(%arg6 : memref<200x128xi32, #tpu.memory_space<vmem>>)
      tpu.yield
    }) : () -> ()
    "tpu.region"() ({
      %run_scoped3A = tpu.sem_alloc : memref<!tpu.dma_semaphore, #tpu.memory_space<semaphore_mem>>
      tpu.enqueue_dma source(%arg4 : memref<64xf32, #tpu.memory_space<hbm>>) target(%arg11 : memref<64xf32, #tpu.memory_space<vmem>>) target_semaphore(%run_scoped3A : memref<!tpu.dma_semaphore, #tpu.memory_space<semaphore_mem>>)
      tpu.wait_dma2 semaphore(%run_scoped3A : memref<!tpu.dma_semaphore, #tpu.memory_space<semaphore_mem>>) src(%arg4 : memref<64xf32, #tpu.memory_space<hbm>>) dst(%arg11 : memref<64xf32, #tpu.memory_space<vmem>>)
      tpu.yield
    }) : () -> ()
    %get3A = arith.constant 0 : index
    %get3A_5 = tpu.vector_load %arg11[%get3A] {strides = array<i32>} : memref<64xf32, #tpu.memory_space<vmem>>, vector<16xf32>,
    %get3A_6 = vector.shape_cast %get3A_5 : vector<16xf32> to vector<16xf32>
    %get3A_7 = arith.constant 16 : index
    %get3A_8 = tpu.vector_load %arg11[%get3A_7] {strides = array<i32>} : memref<64xf32, #tpu.memory_space<vmem>>, vector<16xf32>,
    %get3A_9 = vector.shape_cast %get3A_8 : vector<16xf32> to vector<16xf32>
    %get3A_10 = arith.constant 32 : index
    %get3A_11 = tpu.vector_load %arg11[%get3A_10] {strides = array<i32>} : memref<64xf32, #tpu.memory_space<vmem>>, vector<16xf32>,
    %get3A_12 = vector.shape_cast %get3A_11 : vector<16xf32> to vector<16xf32>
    %get3A_13 = arith.constant 48 : index
    %get3A_14 = tpu.vector_load %arg11[%get3A_13] {strides = array<i32>} : memref<64xf32, #tpu.memory_space<vmem>>, vector<16xf32>,
    %get3A_15 = vector.shape_cast %get3A_14 : vector<16xf32> to vector<16xf32>
    %dma_start3A = arith.constant 0 : i32
    %dma_start3A_16 = arith.constant 0 : i32
    %dma_start3A_17 = arith.constant 0 : i32
    %dma_start3A_18 = tpu.memref_slice %arg7[%dma_start3A_16, %dma_start3A_17] : memref<256x64xf32, #tpu.memory_space<vmem>> -> memref<128x64xf32, #tpu.memory_space<vmem>>
    %dma_start3A_19 = arith.constant 0 : i32
    %dma_start3A_20 = tpu.memref_slice %arg6[%dma_start3A, %dma_start3A_19] : memref<200x128xi32, #tpu.memory_space<vmem>> -> memref<1x128xi32, #tpu.memory_space<vmem>>
    %dma_start3A_21 = tpu.memref_squeeze %dma_start3A_20 : memref<1x128xi32, #tpu.memory_space<vmem>> -> memref<128xi32, #tpu.memory_space<vmem>>
    %dma_start3A_22 = arith.constant 0 : i32
    %dma_start3A_23 = arith.constant 0 : i32
    %dma_start3A_24 = tpu.memref_slice %arg2[%dma_start3A_22, %dma_start3A_23] : memref<1000000x64xf32, #tpu.memory_space<hbm>> -> memref<1000000x64xf32, #tpu.memory_space<hbm>>
    tpu.enqueue_indirect_dma source(%dma_start3A_24 : memref<1000000x64xf32, #tpu.memory_space<hbm>>) target(%dma_start3A_18 : memref<128x64xf32, #tpu.memory_space<vmem>>) offsets(%dma_start3A_21 : memref<128xi32, #tpu.memory_space<vmem>>) semaphore(%arg12 : memref<!tpu.dma_semaphore, #tpu.memory_space<semaphore_mem>>)
    %dma_start3A_25 = arith.constant 1 : i32
    %dma_start3A_26 = arith.constant 128 : i32
    %dma_start3A_27 = arith.constant 0 : i32
    %dma_start3A_28 = tpu.memref_slice %arg7[%dma_start3A_26, %dma_start3A_27] : memref<256x64xf32, #tpu.memory_space<vmem>> -> memref<128x64xf32, #tpu.memory_space<vmem>>
    %dma_start3A_29 = arith.constant 0 : i32
    %dma_start3A_30 = tpu.memref_slice %arg6[%dma_start3A_25, %dma_start3A_29] : memref<200x128xi32, #tpu.memory_space<vmem>> -> memref<1x128xi32, #tpu.memory_space<vmem>>
    %dma_start3A_31 = tpu.memref_squeeze %dma_start3A_30 : memref<1x128xi32, #tpu.memory_space<vmem>> -> memref<128xi32, #tpu.memory_space<vmem>>
    %dma_start3A_32 = arith.constant 0 : i32
    %dma_start3A_33 = arith.constant 0 : i32
    %dma_start3A_34 = tpu.memref_slice %arg2[%dma_start3A_32, %dma_start3A_33] : memref<1000000x64xf32, #tpu.memory_space<hbm>> -> memref<1000000x64xf32, #tpu.memory_space<hbm>>
    tpu.enqueue_indirect_dma source(%dma_start3A_34 : memref<1000000x64xf32, #tpu.memory_space<hbm>>) target(%dma_start3A_28 : memref<128x64xf32, #tpu.memory_space<vmem>>) offsets(%dma_start3A_31 : memref<128xi32, #tpu.memory_space<vmem>>) semaphore(%arg12 : memref<!tpu.dma_semaphore, #tpu.memory_space<semaphore_mem>>)
    %scan3A = arith.constant 0 : i32
    %scan3A_35 = arith.constant 100 : i32
    %scan3A_36 = arith.addi %scan3A, %scan3A_35 : i32
    %scan3A_37 = arith.constant 1 : i32
    scf.for %scan3A_50 = %scan3A to %scan3A_36 step %scan3A_37  : i32 {
      %mul3A_51 = arith.constant 1 : i32
      %mul3A_52 = arith.muli %scan3A_50, %mul3A_51 : i32
      %add3A_53 = arith.constant 0 : i32
      %add3A_54 = arith.addi %add3A_53, %mul3A_52 : i32
      %jit3A = arith.constant 2 : i32
      %eq3A = arith.constant 0 : i32
      %eq3A_55 = arith.cmpi eq, %jit3A, %eq3A : i32
      %jit3A_56 = arith.constant 1 : i32
      %select_n3A = arith.select %eq3A_55, %jit3A_56, %jit3A : i32
      %rem3A = arith.remsi %add3A_54, %select_n3A : i32
      %ne3A = arith.constant 0 : i32
      %ne3A_57 = arith.cmpi ne, %rem3A, %ne3A : i32
      %lt3A = arith.constant 0 : i32
      %lt3A_58 = arith.cmpi slt, %rem3A, %lt3A : i32
      %lt3A_59 = arith.constant 0 : i32
      %lt3A_60 = arith.cmpi slt, %select_n3A, %lt3A_59 : i32
      %ne3A_61 = arith.xori %lt3A_58, %lt3A_60 : i1
      %and3A = arith.andi %ne3A_61, %ne3A_57 : i1
      %add3A_62 = arith.addi %rem3A, %select_n3A : i32
      %select_n3A_63 = arith.select %and3A, %add3A_62, %rem3A : i32
      %eq3A_64 = arith.constant 0 : i32
      %eq3A_65 = arith.cmpi eq, %select_n3A_63, %eq3A_64 : i32
      %convert_element_type3A = arith.extui %eq3A_65 : i1 to i32
      %cond3A = arith.constant 0 : i32
      %cond3A_66 = arith.cmpi ne, %convert_element_type3A, %cond3A : i32
      scf.if %cond3A_66 {
        %add3A_88 = arith.constant 1 : i32
        %add3A_89 = arith.addi %add3A_54, %add3A_88 : i32
        %lt3A_90 = arith.constant 100 : i32
        %lt3A_91 = arith.cmpi slt, %add3A_89, %lt3A_90 : i32
        %convert_element_type3A_92 = arith.extui %lt3A_91 : i1 to i32
        %cond3A_93 = arith.constant 0 : i32
        %cond3A_94 = arith.cmpi ne, %convert_element_type3A_92, %cond3A_93 : i32
        scf.if %cond3A_94 {
          %add3A_341 = arith.constant 1 : i32
          %add3A_342 = arith.addi %add3A_54, %add3A_341 : i32
          %mul3A_343 = arith.constant 2 : i32
          %mul3A_344 = arith.muli %add3A_342, %mul3A_343 : i32
          %add3A_345 = arith.constant 0 : i32
          %add3A_346 = arith.addi %mul3A_344, %add3A_345 : i32
          %dma_start3A_347 = arith.constant 0 : i32
          %dma_start3A_348 = arith.constant 0 : i32
          %dma_start3A_349 = tpu.memref_slice %arg8[%dma_start3A_347, %dma_start3A_348] : memref<256x64xf32, #tpu.memory_space<vmem>> -> memref<128x64xf32, #tpu.memory_space<vmem>>
          %dma_start3A_350 = arith.constant 0 : i32
          %dma_start3A_351 = tpu.memref_slice %arg6[%add3A_346, %dma_start3A_350] : memref<200x128xi32, #tpu.memory_space<vmem>> -> memref<1x128xi32, #tpu.memory_space<vmem>>
          %dma_start3A_352 = tpu.memref_squeeze %dma_start3A_351 : memref<1x128xi32, #tpu.memory_space<vmem>> -> memref<128xi32, #tpu.memory_space<vmem>>
          %dma_start3A_353 = arith.constant 0 : i32
          %dma_start3A_354 = arith.constant 0 : i32
          %dma_start3A_355 = tpu.memref_slice %arg2[%dma_start3A_353, %dma_start3A_354] : memref<1000000x64xf32, #tpu.memory_space<hbm>> -> memref<1000000x64xf32, #tpu.memory_space<hbm>>
          tpu.enqueue_indirect_dma source(%dma_start3A_355 : memref<1000000x64xf32, #tpu.memory_space<hbm>>) target(%dma_start3A_349 : memref<128x64xf32, #tpu.memory_space<vmem>>) offsets(%dma_start3A_352 : memref<128xi32, #tpu.memory_space<vmem>>) semaphore(%arg13 : memref<!tpu.dma_semaphore, #tpu.memory_space<semaphore_mem>>)
          %mul3A_356 = arith.constant 2 : i32
          %mul3A_357 = arith.muli %add3A_342, %mul3A_356 : i32
          %add3A_358 = arith.constant 1 : i32
          %add3A_359 = arith.addi %mul3A_357, %add3A_358 : i32
          %dma_start3A_360 = arith.constant 128 : i32
          %dma_start3A_361 = arith.constant 0 : i32
          %dma_start3A_362 = tpu.memref_slice %arg8[%dma_start3A_360, %dma_start3A_361] : memref<256x64xf32, #tpu.memory_space<vmem>> -> memref<128x64xf32, #tpu.memory_space<vmem>>
          %dma_start3A_363 = arith.constant 0 : i32
          %dma_start3A_364 = tpu.memref_slice %arg6[%add3A_359, %dma_start3A_363] : memref<200x128xi32, #tpu.memory_space<vmem>> -> memref<1x128xi32, #tpu.memory_space<vmem>>
          %dma_start3A_365 = tpu.memref_squeeze %dma_start3A_364 : memref<1x128xi32, #tpu.memory_space<vmem>> -> memref<128xi32, #tpu.memory_space<vmem>>
          %dma_start3A_366 = arith.constant 0 : i32
          %dma_start3A_367 = arith.constant 0 : i32
          %dma_start3A_368 = tpu.memref_slice %arg2[%dma_start3A_366, %dma_start3A_367] : memref<1000000x64xf32, #tpu.memory_space<hbm>> -> memref<1000000x64xf32, #tpu.memory_space<hbm>>
          tpu.enqueue_indirect_dma source(%dma_start3A_368 : memref<1000000x64xf32, #tpu.memory_space<hbm>>) target(%dma_start3A_362 : memref<128x64xf32, #tpu.memory_space<vmem>>) offsets(%dma_start3A_365 : memref<128xi32, #tpu.memory_space<vmem>>) semaphore(%arg13 : memref<!tpu.dma_semaphore, #tpu.memory_space<semaphore_mem>>)
        } else {
        }
        %mul3A_95 = arith.constant 2 : i32
        %mul3A_96 = arith.muli %add3A_54, %mul3A_95 : i32
        %add3A_97 = arith.constant 0 : i32
        %add3A_98 = arith.addi %mul3A_96, %add3A_97 : i32
        %dma_wait3A_99 = arith.constant 0 : i32
        %dma_wait3A_100 = arith.constant 0 : i32
        %dma_wait3A_101 = tpu.memref_slice %arg7[%dma_wait3A_99, %dma_wait3A_100] : memref<256x64xf32, #tpu.memory_space<vmem>> -> memref<128x64xf32, #tpu.memory_space<vmem>>
        %dma_wait3A_102 = arith.constant 0 : i32
        %dma_wait3A_103 = tpu.memref_slice %arg6[%add3A_98, %dma_wait3A_102] : memref<200x128xi32, #tpu.memory_space<vmem>> -> memref<1x128xi32, #tpu.memory_space<vmem>>
        %dma_wait3A_104 = tpu.memref_squeeze %dma_wait3A_103 : memref<1x128xi32, #tpu.memory_space<vmem>> -> memref<128xi32, #tpu.memory_space<vmem>>
        %dma_wait3A_105 = arith.constant 0 : i32
        %dma_wait3A_106 = arith.constant 0 : i32
        %dma_wait3A_107 = tpu.memref_slice %arg2[%dma_wait3A_105, %dma_wait3A_106] : memref<1000000x64xf32, #tpu.memory_space<hbm>> -> memref<1000000x64xf32, #tpu.memory_space<hbm>>
        tpu.wait_indirect_dma semaphore(%arg12 : memref<!tpu.dma_semaphore, #tpu.memory_space<semaphore_mem>>) src(%dma_wait3A_107 : memref<1000000x64xf32, #tpu.memory_space<hbm>>) dst(%dma_wait3A_101 : memref<128x64xf32, #tpu.memory_space<vmem>>)
        %mul3A_108 = arith.constant 2 : i32
        %mul3A_109 = arith.muli %add3A_54, %mul3A_108 : i32
        %add3A_110 = arith.constant 1 : i32
        %add3A_111 = arith.addi %mul3A_109, %add3A_110 : i32
        %dma_wait3A_112 = arith.constant 128 : i32
        %dma_wait3A_113 = arith.constant 0 : i32
        %dma_wait3A_114 = tpu.memref_slice %arg7[%dma_wait3A_112, %dma_wait3A_113] : memref<256x64xf32, #tpu.memory_space<vmem>> -> memref<128x64xf32, #tpu.memory_space<vmem>>
        %dma_wait3A_115 = arith.constant 0 : i32
        %dma_wait3A_116 = tpu.memref_slice %arg6[%add3A_111, %dma_wait3A_115] : memref<200x128xi32, #tpu.memory_space<vmem>> -> memref<1x128xi32, #tpu.memory_space<vmem>>
        %dma_wait3A_117 = tpu.memref_squeeze %dma_wait3A_116 : memref<1x128xi32, #tpu.memory_space<vmem>> -> memref<128xi32, #tpu.memory_space<vmem>>
        %dma_wait3A_118 = arith.constant 0 : i32
        %dma_wait3A_119 = arith.constant 0 : i32
        %dma_wait3A_120 = tpu.memref_slice %arg2[%dma_wait3A_118, %dma_wait3A_119] : memref<1000000x64xf32, #tpu.memory_space<hbm>> -> memref<1000000x64xf32, #tpu.memory_space<hbm>>
        tpu.wait_indirect_dma semaphore(%arg12 : memref<!tpu.dma_semaphore, #tpu.memory_space<semaphore_mem>>) src(%dma_wait3A_120 : memref<1000000x64xf32, #tpu.memory_space<hbm>>) dst(%dma_wait3A_114 : memref<128x64xf32, #tpu.memory_space<vmem>>)
        %jit3A_121 = arith.constant 2 : i32
        %div3A = arith.divsi %add3A_54, %jit3A_121 : i32
        %sign3A = arith.constant 0 : i32
        %sign3A_122 = arith.cmpi sgt, %add3A_54, %sign3A : i32
        %sign3A_123 = arith.extui %sign3A_122 : i1 to i32
        %sign3A_124 = arith.constant 0 : i32
        %sign3A_125 = arith.cmpi slt, %add3A_54, %sign3A_124 : i32
        %sign3A_126 = arith.extui %sign3A_125 : i1 to i32
        %sign3A_127 = arith.subi %sign3A_123, %sign3A_126 : i32
        %sign3A_128 = arith.constant 0 : i32
        %sign3A_129 = arith.cmpi sgt, %jit3A_121, %sign3A_128 : i32
        %sign3A_130 = arith.extui %sign3A_129 : i1 to i32
        %sign3A_131 = arith.constant 0 : i32
        %sign3A_132 = arith.cmpi slt, %jit3A_121, %sign3A_131 : i32
        %sign3A_133 = arith.extui %sign3A_132 : i1 to i32
        %sign3A_134 = arith.subi %sign3A_130, %sign3A_133 : i32
        %ne3A_135 = arith.cmpi ne, %sign3A_127, %sign3A_134 : i32
        %rem3A_136 = arith.remsi %add3A_54, %jit3A_121 : i32
        %ne3A_137 = arith.constant 0 : i32
        %ne3A_138 = arith.cmpi ne, %rem3A_136, %ne3A_137 : i32
        %and3A_139 = arith.andi %ne3A_135, %ne3A_138 : i1
        %sub3A = arith.constant 1 : i32
        %sub3A_140 = arith.subi %div3A, %sub3A : i32
        %select_n3A_141 = arith.select %and3A_139, %sub3A_140, %div3A : i32
        %jit3A_142 = arith.constant 2 : i32
        %eq3A_143 = arith.constant 0 : i32
        %eq3A_144 = arith.cmpi eq, %jit3A_142, %eq3A_143 : i32
        %jit3A_145 = arith.constant 1 : i32
        %select_n3A_146 = arith.select %eq3A_144, %jit3A_145, %jit3A_142 : i32
        %rem3A_147 = arith.remsi %select_n3A_141, %select_n3A_146 : i32
        %ne3A_148 = arith.constant 0 : i32
        %ne3A_149 = arith.cmpi ne, %rem3A_147, %ne3A_148 : i32
        %lt3A_150 = arith.constant 0 : i32
        %lt3A_151 = arith.cmpi slt, %rem3A_147, %lt3A_150 : i32
        %lt3A_152 = arith.constant 0 : i32
        %lt3A_153 = arith.cmpi slt, %select_n3A_146, %lt3A_152 : i32
        %ne3A_154 = arith.xori %lt3A_151, %lt3A_153 : i1
        %and3A_155 = arith.andi %ne3A_154, %ne3A_149 : i1
        %add3A_156 = arith.addi %rem3A_147, %select_n3A_146 : i32
        %select_n3A_157 = arith.select %and3A_155, %add3A_156, %rem3A_147 : i32
        %eq3A_158 = arith.constant 0 : i32
        %eq3A_159 = arith.cmpi eq, %select_n3A_157, %eq3A_158 : i32
        %jit3A_160 = arith.constant 2 : i32
        %eq3A_161 = arith.constant 0 : i32
        %eq3A_162 = arith.cmpi eq, %jit3A_160, %eq3A_161 : i32
        %jit3A_163 = arith.constant 1 : i32
        %select_n3A_164 = arith.select %eq3A_162, %jit3A_163, %jit3A_160 : i32
        %rem3A_165 = arith.remsi %add3A_54, %select_n3A_164 : i32
        %ne3A_166 = arith.constant 0 : i32
        %ne3A_167 = arith.cmpi ne, %rem3A_165, %ne3A_166 : i32
        %lt3A_168 = arith.constant 0 : i32
        %lt3A_169 = arith.cmpi slt, %rem3A_165, %lt3A_168 : i32
        %lt3A_170 = arith.constant 0 : i32
        %lt3A_171 = arith.cmpi slt, %select_n3A_164, %lt3A_170 : i32
        %ne3A_172 = arith.xori %lt3A_169, %lt3A_171 : i1
        %and3A_173 = arith.andi %ne3A_172, %ne3A_167 : i1
        %add3A_174 = arith.addi %rem3A_165, %select_n3A_164 : i32
        %select_n3A_175 = arith.select %and3A_173, %add3A_174, %rem3A_165 : i32
        %eq3A_176 = arith.constant 0 : i32
        %eq3A_177 = arith.cmpi eq, %select_n3A_175, %eq3A_176 : i32
        %and3A_178 = arith.andi %eq3A_159, %eq3A_177 : i1
        %ge3A = arith.constant 4 : i32
        %ge3A_179 = arith.cmpi sge, %add3A_54, %ge3A : i32
        %and3A_180 = arith.andi %and3A_178, %ge3A_179 : i1
        %convert_element_type3A_181 = arith.extui %and3A_180 : i1 to i32
        %cond3A_182 = arith.constant 0 : i32
        %cond3A_183 = arith.cmpi ne, %convert_element_type3A_181, %cond3A_182 : i32
        scf.if %cond3A_183 {
          %jit3A_341 = arith.constant 2 : i32
          %div3A_342 = arith.divsi %add3A_54, %jit3A_341 : i32
          %sign3A_343 = arith.constant 0 : i32
          %sign3A_344 = arith.cmpi sgt, %add3A_54, %sign3A_343 : i32
          %sign3A_345 = arith.extui %sign3A_344 : i1 to i32
          %sign3A_346 = arith.constant 0 : i32
          %sign3A_347 = arith.cmpi slt, %add3A_54, %sign3A_346 : i32
          %sign3A_348 = arith.extui %sign3A_347 : i1 to i32
          %sign3A_349 = arith.subi %sign3A_345, %sign3A_348 : i32
          %sign3A_350 = arith.constant 0 : i32
          %sign3A_351 = arith.cmpi sgt, %jit3A_341, %sign3A_350 : i32
          %sign3A_352 = arith.extui %sign3A_351 : i1 to i32
          %sign3A_353 = arith.constant 0 : i32
          %sign3A_354 = arith.cmpi slt, %jit3A_341, %sign3A_353 : i32
          %sign3A_355 = arith.extui %sign3A_354 : i1 to i32
          %sign3A_356 = arith.subi %sign3A_352, %sign3A_355 : i32
          %ne3A_357 = arith.cmpi ne, %sign3A_349, %sign3A_356 : i32
          %rem3A_358 = arith.remsi %add3A_54, %jit3A_341 : i32
          %ne3A_359 = arith.constant 0 : i32
          %ne3A_360 = arith.cmpi ne, %rem3A_358, %ne3A_359 : i32
          %and3A_361 = arith.andi %ne3A_357, %ne3A_360 : i1
          %sub3A_362 = arith.constant 1 : i32
          %sub3A_363 = arith.subi %div3A_342, %sub3A_362 : i32
          %select_n3A_364 = arith.select %and3A_361, %sub3A_363, %div3A_342 : i32
          %sub3A_365 = arith.constant 2 : i32
          %sub3A_366 = arith.subi %select_n3A_364, %sub3A_365 : i32
          %mul3A_367 = arith.constant 2 : i32
          %mul3A_368 = arith.muli %sub3A_366, %mul3A_367 : i32
          %mul3A_369 = arith.constant 256 : i32
          %mul3A_370 = arith.muli %mul3A_368, %mul3A_369 : i32
          %add3A_371 = arith.addi %mul3A_4, %mul3A_370 : i32
          %dma_wait3A_372 = arith.constant 0 : i32
          %dma_wait3A_373 = tpu.memref_slice %arg5[%add3A_371, %dma_wait3A_372] : memref<819200x64xf32, #tpu.memory_space<hbm>> -> memref<512x64xf32, #tpu.memory_space<hbm>>
          %dma_wait3A_374 = arith.constant 0 : i32
          %dma_wait3A_375 = tpu.memref_slice %arg5[%add3A_371, %dma_wait3A_374] : memref<819200x64xf32, #tpu.memory_space<hbm>> -> memref<512x64xf32, #tpu.memory_space<hbm>>
          tpu.wait_dma2 semaphore(%arg14 : memref<!tpu.dma_semaphore, #tpu.memory_space<semaphore_mem>>) src(%arg9 : memref<512x64xf32, #tpu.memory_space<vmem>>) dst(%dma_wait3A_375 : memref<512x64xf32, #tpu.memory_space<hbm>>)
        } else {
        }
        %jit3A_184 = arith.constant 2 : i32
        %div3A_185 = arith.divsi %add3A_54, %jit3A_184 : i32
        %sign3A_186 = arith.constant 0 : i32
        %sign3A_187 = arith.cmpi sgt, %add3A_54, %sign3A_186 : i32
        %sign3A_188 = arith.extui %sign3A_187 : i1 to i32
        %sign3A_189 = arith.constant 0 : i32
        %sign3A_190 = arith.cmpi slt, %add3A_54, %sign3A_189 : i32
        %sign3A_191 = arith.extui %sign3A_190 : i1 to i32
        %sign3A_192 = arith.subi %sign3A_188, %sign3A_191 : i32
        %sign3A_193 = arith.constant 0 : i32
        %sign3A_194 = arith.cmpi sgt, %jit3A_184, %sign3A_193 : i32
        %sign3A_195 = arith.extui %sign3A_194 : i1 to i32
        %sign3A_196 = arith.constant 0 : i32
        %sign3A_197 = arith.cmpi slt, %jit3A_184, %sign3A_196 : i32
        %sign3A_198 = arith.extui %sign3A_197 : i1 to i32
        %sign3A_199 = arith.subi %sign3A_195, %sign3A_198 : i32
        %ne3A_200 = arith.cmpi ne, %sign3A_192, %sign3A_199 : i32
        %rem3A_201 = arith.remsi %add3A_54, %jit3A_184 : i32
        %ne3A_202 = arith.constant 0 : i32
        %ne3A_203 = arith.cmpi ne, %rem3A_201, %ne3A_202 : i32
        %and3A_204 = arith.andi %ne3A_200, %ne3A_203 : i1
        %sub3A_205 = arith.constant 1 : i32
        %sub3A_206 = arith.subi %div3A_185, %sub3A_205 : i32
        %select_n3A_207 = arith.select %and3A_204, %sub3A_206, %div3A_185 : i32
        %jit3A_208 = arith.constant 2 : i32
        %eq3A_209 = arith.constant 0 : i32
        %eq3A_210 = arith.cmpi eq, %jit3A_208, %eq3A_209 : i32
        %jit3A_211 = arith.constant 1 : i32
        %select_n3A_212 = arith.select %eq3A_210, %jit3A_211, %jit3A_208 : i32
        %rem3A_213 = arith.remsi %select_n3A_207, %select_n3A_212 : i32
        %ne3A_214 = arith.constant 0 : i32
        %ne3A_215 = arith.cmpi ne, %rem3A_213, %ne3A_214 : i32
        %lt3A_216 = arith.constant 0 : i32
        %lt3A_217 = arith.cmpi slt, %rem3A_213, %lt3A_216 : i32
        %lt3A_218 = arith.constant 0 : i32
        %lt3A_219 = arith.cmpi slt, %select_n3A_212, %lt3A_218 : i32
        %ne3A_220 = arith.xori %lt3A_217, %lt3A_219 : i1
        %and3A_221 = arith.andi %ne3A_220, %ne3A_215 : i1
        %add3A_222 = arith.addi %rem3A_213, %select_n3A_212 : i32
        %select_n3A_223 = arith.select %and3A_221, %add3A_222, %rem3A_213 : i32
        %eq3A_224 = arith.constant 1 : i32
        %eq3A_225 = arith.cmpi eq, %select_n3A_223, %eq3A_224 : i32
        %jit3A_226 = arith.constant 2 : i32
        %eq3A_227 = arith.constant 0 : i32
        %eq3A_228 = arith.cmpi eq, %jit3A_226, %eq3A_227 : i32
        %jit3A_229 = arith.constant 1 : i32
        %select_n3A_230 = arith.select %eq3A_228, %jit3A_229, %jit3A_226 : i32
        %rem3A_231 = arith.remsi %add3A_54, %select_n3A_230 : i32
        %ne3A_232 = arith.constant 0 : i32
        %ne3A_233 = arith.cmpi ne, %rem3A_231, %ne3A_232 : i32
        %lt3A_234 = arith.constant 0 : i32
        %lt3A_235 = arith.cmpi slt, %rem3A_231, %lt3A_234 : i32
        %lt3A_236 = arith.constant 0 : i32
        %lt3A_237 = arith.cmpi slt, %select_n3A_230, %lt3A_236 : i32
        %ne3A_238 = arith.xori %lt3A_235, %lt3A_237 : i1
        %and3A_239 = arith.andi %ne3A_238, %ne3A_233 : i1
        %add3A_240 = arith.addi %rem3A_231, %select_n3A_230 : i32
        %select_n3A_241 = arith.select %and3A_239, %add3A_240, %rem3A_231 : i32
        %eq3A_242 = arith.constant 0 : i32
        %eq3A_243 = arith.cmpi eq, %select_n3A_241, %eq3A_242 : i32
        %and3A_244 = arith.andi %eq3A_225, %eq3A_243 : i1
        %ge3A_245 = arith.constant 4 : i32
        %ge3A_246 = arith.cmpi sge, %add3A_54, %ge3A_245 : i32
        %and3A_247 = arith.andi %and3A_244, %ge3A_246 : i1
        %convert_element_type3A_248 = arith.extui %and3A_247 : i1 to i32
        %cond3A_249 = arith.constant 0 : i32
        %cond3A_250 = arith.cmpi ne, %convert_element_type3A_248, %cond3A_249 : i32
        scf.if %cond3A_250 {
          %jit3A_341 = arith.constant 2 : i32
          %div3A_342 = arith.divsi %add3A_54, %jit3A_341 : i32
          %sign3A_343 = arith.constant 0 : i32
          %sign3A_344 = arith.cmpi sgt, %add3A_54, %sign3A_343 : i32
          %sign3A_345 = arith.extui %sign3A_344 : i1 to i32
          %sign3A_346 = arith.constant 0 : i32
          %sign3A_347 = arith.cmpi slt, %add3A_54, %sign3A_346 : i32
          %sign3A_348 = arith.extui %sign3A_347 : i1 to i32
          %sign3A_349 = arith.subi %sign3A_345, %sign3A_348 : i32
          %sign3A_350 = arith.constant 0 : i32
          %sign3A_351 = arith.cmpi sgt, %jit3A_341, %sign3A_350 : i32
          %sign3A_352 = arith.extui %sign3A_351 : i1 to i32
          %sign3A_353 = arith.constant 0 : i32
          %sign3A_354 = arith.cmpi slt, %jit3A_341, %sign3A_353 : i32
          %sign3A_355 = arith.extui %sign3A_354 : i1 to i32
          %sign3A_356 = arith.subi %sign3A_352, %sign3A_355 : i32
          %ne3A_357 = arith.cmpi ne, %sign3A_349, %sign3A_356 : i32
          %rem3A_358 = arith.remsi %add3A_54, %jit3A_341 : i32
          %ne3A_359 = arith.constant 0 : i32
          %ne3A_360 = arith.cmpi ne, %rem3A_358, %ne3A_359 : i32
          %and3A_361 = arith.andi %ne3A_357, %ne3A_360 : i1
          %sub3A_362 = arith.constant 1 : i32
          %sub3A_363 = arith.subi %div3A_342, %sub3A_362 : i32
          %select_n3A_364 = arith.select %and3A_361, %sub3A_363, %div3A_342 : i32
          %sub3A_365 = arith.constant 2 : i32
          %sub3A_366 = arith.subi %select_n3A_364, %sub3A_365 : i32
          %mul3A_367 = arith.constant 2 : i32
          %mul3A_368 = arith.muli %sub3A_366, %mul3A_367 : i32
          %mul3A_369 = arith.constant 256 : i32
          %mul3A_370 = arith.muli %mul3A_368, %mul3A_369 : i32
          %add3A_371 = arith.addi %mul3A_4, %mul3A_370 : i32
          %dma_wait3A_372 = arith.constant 0 : i32
          %dma_wait3A_373 = tpu.memref_slice %arg5[%add3A_371, %dma_wait3A_372] : memref<819200x64xf32, #tpu.memory_space<hbm>> -> memref<512x64xf32, #tpu.memory_space<hbm>>
          %dma_wait3A_374 = arith.constant 0 : i32
          %dma_wait3A_375 = tpu.memref_slice %arg5[%add3A_371, %dma_wait3A_374] : memref<819200x64xf32, #tpu.memory_space<hbm>> -> memref<512x64xf32, #tpu.memory_space<hbm>>
          tpu.wait_dma2 semaphore(%arg15 : memref<!tpu.dma_semaphore, #tpu.memory_space<semaphore_mem>>) src(%arg10 : memref<512x64xf32, #tpu.memory_space<vmem>>) dst(%dma_wait3A_375 : memref<512x64xf32, #tpu.memory_space<hbm>>)
        } else {
        }
        %jit3A_251 = arith.constant 2 : i32
        %div3A_252 = arith.divsi %add3A_54, %jit3A_251 : i32
        %sign3A_253 = arith.constant 0 : i32
        %sign3A_254 = arith.cmpi sgt, %add3A_54, %sign3A_253 : i32
        %sign3A_255 = arith.extui %sign3A_254 : i1 to i32
        %sign3A_256 = arith.constant 0 : i32
        %sign3A_257 = arith.cmpi slt, %add3A_54, %sign3A_256 : i32
        %sign3A_258 = arith.extui %sign3A_257 : i1 to i32
        %sign3A_259 = arith.subi %sign3A_255, %sign3A_258 : i32
        %sign3A_260 = arith.constant 0 : i32
        %sign3A_261 = arith.cmpi sgt, %jit3A_251, %sign3A_260 : i32
        %sign3A_262 = arith.extui %sign3A_261 : i1 to i32
        %sign3A_263 = arith.constant 0 : i32
        %sign3A_264 = arith.cmpi slt, %jit3A_251, %sign3A_263 : i32
        %sign3A_265 = arith.extui %sign3A_264 : i1 to i32
        %sign3A_266 = arith.subi %sign3A_262, %sign3A_265 : i32
        %ne3A_267 = arith.cmpi ne, %sign3A_259, %sign3A_266 : i32
        %rem3A_268 = arith.remsi %add3A_54, %jit3A_251 : i32
        %ne3A_269 = arith.constant 0 : i32
        %ne3A_270 = arith.cmpi ne, %rem3A_268, %ne3A_269 : i32
        %and3A_271 = arith.andi %ne3A_267, %ne3A_270 : i1
        %sub3A_272 = arith.constant 1 : i32
        %sub3A_273 = arith.subi %div3A_252, %sub3A_272 : i32
        %select_n3A_274 = arith.select %and3A_271, %sub3A_273, %div3A_252 : i32
        %jit3A_275 = arith.constant 2 : i32
        %eq3A_276 = arith.constant 0 : i32
        %eq3A_277 = arith.cmpi eq, %jit3A_275, %eq3A_276 : i32
        %jit3A_278 = arith.constant 1 : i32
        %select_n3A_279 = arith.select %eq3A_277, %jit3A_278, %jit3A_275 : i32
        %rem3A_280 = arith.remsi %select_n3A_274, %select_n3A_279 : i32
        %ne3A_281 = arith.constant 0 : i32
        %ne3A_282 = arith.cmpi ne, %rem3A_280, %ne3A_281 : i32
        %lt3A_283 = arith.constant 0 : i32
        %lt3A_284 = arith.cmpi slt, %rem3A_280, %lt3A_283 : i32
        %lt3A_285 = arith.constant 0 : i32
        %lt3A_286 = arith.cmpi slt, %select_n3A_279, %lt3A_285 : i32
        %ne3A_287 = arith.xori %lt3A_284, %lt3A_286 : i1
        %and3A_288 = arith.andi %ne3A_287, %ne3A_282 : i1
        %add3A_289 = arith.addi %rem3A_280, %select_n3A_279 : i32
        %select_n3A_290 = arith.select %and3A_288, %add3A_289, %rem3A_280 : i32
        %eq3A_291 = arith.constant 0 : i32
        %eq3A_292 = arith.cmpi eq, %select_n3A_290, %eq3A_291 : i32
        %convert_element_type3A_293 = arith.extui %eq3A_292 : i1 to i32
        %cond3A_294 = arith.constant 0 : i32
        %cond3A_295 = arith.cmpi ne, %convert_element_type3A_293, %cond3A_294 : i32
        scf.if %cond3A_295 {
          %parallel_loop3A = arith.constant 0 : i32
          %parallel_loop3A_341 = arith.constant 256 : i32
          %parallel_loop3A_342 = arith.constant 1 : i32
          scf.for %parallel_loop3A_364 = %parallel_loop3A to %parallel_loop3A_341 step %parallel_loop3A_342  : i32 {
            %parallel_loop3A_365 = arith.index_cast %parallel_loop3A_364 : i32 to index
            %parallel_loop3A_366 = arith.constant 0 : index
            %parallel_loop3A_367 = tpu.vector_load %arg7[%parallel_loop3A_365, %parallel_loop3A_366] {strides = array<i32>} : memref<256x64xf32, #tpu.memory_space<vmem>>, vector<1x16xf32>,
            %parallel_loop3A_368 = vector.shape_cast %parallel_loop3A_367 : vector<1x16xf32> to vector<16xf32>
            %parallel_loop3A_369 = arith.constant 8.000000e+00 : f32
            %parallel_loop3A_370 = vector.broadcast %parallel_loop3A_369 : f32 to vector<16xf32>
            %parallel_loop3A_371 = arith.mulf %parallel_loop3A_368, %parallel_loop3A_370 : vector<16xf32>
            %parallel_loop3A_372 = arith.addf %parallel_loop3A_371, %get3A_6 : vector<16xf32>
            %parallel_loop3A_373 = arith.constant 0 : i32
            %parallel_loop3A_374 = arith.addi %parallel_loop3A_373, %parallel_loop3A_364 : i32
            %parallel_loop3A_375 = arith.index_cast %parallel_loop3A_374 : i32 to index
            %parallel_loop3A_376 = arith.constant 0 : index
            %parallel_loop3A_377 = tpu.vector_load %arg9[%parallel_loop3A_375, %parallel_loop3A_376] {strides = array<i32>} : memref<512x64xf32, #tpu.memory_space<vmem>>, vector<1x16xf32>,
            %parallel_loop3A_378 = vector.shape_cast %parallel_loop3A_377 : vector<1x16xf32> to vector<16xf32>
            %parallel_loop3A_379 = vector.shape_cast %parallel_loop3A_372 : vector<16xf32> to vector<1x16xf32>
            tpu.vector_store %arg9[%parallel_loop3A_375, %parallel_loop3A_376], %parallel_loop3A_379 {strides = array<i32>} : memref<512x64xf32, #tpu.memory_space<vmem>>, vector<1x16xf32>,
            %parallel_loop3A_380 = arith.index_cast %parallel_loop3A_364 : i32 to index
            %parallel_loop3A_381 = arith.constant 16 : index
            %parallel_loop3A_382 = tpu.vector_load %arg7[%parallel_loop3A_380, %parallel_loop3A_381] {strides = array<i32>} : memref<256x64xf32, #tpu.memory_space<vmem>>, vector<1x16xf32>,
            %parallel_loop3A_383 = vector.shape_cast %parallel_loop3A_382 : vector<1x16xf32> to vector<16xf32>
            %parallel_loop3A_384 = arith.constant 8.000000e+00 : f32
            %parallel_loop3A_385 = vector.broadcast %parallel_loop3A_384 : f32 to vector<16xf32>
            %parallel_loop3A_386 = arith.mulf %parallel_loop3A_383, %parallel_loop3A_385 : vector<16xf32>
            %parallel_loop3A_387 = arith.addf %parallel_loop3A_386, %get3A_9 : vector<16xf32>
            %parallel_loop3A_388 = arith.constant 0 : i32
            %parallel_loop3A_389 = arith.addi %parallel_loop3A_388, %parallel_loop3A_364 : i32
            %parallel_loop3A_390 = arith.index_cast %parallel_loop3A_389 : i32 to index
            %parallel_loop3A_391 = arith.constant 16 : index
            %parallel_loop3A_392 = tpu.vector_load %arg9[%parallel_loop3A_390, %parallel_loop3A_391] {strides = array<i32>} : memref<512x64xf32, #tpu.memory_space<vmem>>, vector<1x16xf32>,
            %parallel_loop3A_393 = vector.shape_cast %parallel_loop3A_392 : vector<1x16xf32> to vector<16xf32>
            %parallel_loop3A_394 = vector.shape_cast %parallel_loop3A_387 : vector<16xf32> to vector<1x16xf32>
            tpu.vector_store %arg9[%parallel_loop3A_390, %parallel_loop3A_391], %parallel_loop3A_394 {strides = array<i32>} : memref<512x64xf32, #tpu.memory_space<vmem>>, vector<1x16xf32>,
            %parallel_loop3A_395 = arith.index_cast %parallel_loop3A_364 : i32 to index
            %parallel_loop3A_396 = arith.constant 32 : index
            %parallel_loop3A_397 = tpu.vector_load %arg7[%parallel_loop3A_395, %parallel_loop3A_396] {strides = array<i32>} : memref<256x64xf32, #tpu.memory_space<vmem>>, vector<1x16xf32>,
            %parallel_loop3A_398 = vector.shape_cast %parallel_loop3A_397 : vector<1x16xf32> to vector<16xf32>
            %parallel_loop3A_399 = arith.constant 8.000000e+00 : f32
            %parallel_loop3A_400 = vector.broadcast %parallel_loop3A_399 : f32 to vector<16xf32>
            %parallel_loop3A_401 = arith.mulf %parallel_loop3A_398, %parallel_loop3A_400 : vector<16xf32>
            %parallel_loop3A_402 = arith.addf %parallel_loop3A_401, %get3A_12 : vector<16xf32>
            %parallel_loop3A_403 = arith.constant 0 : i32
            %parallel_loop3A_404 = arith.addi %parallel_loop3A_403, %parallel_loop3A_364 : i32
            %parallel_loop3A_405 = arith.index_cast %parallel_loop3A_404 : i32 to index
            %parallel_loop3A_406 = arith.constant 32 : index
            %parallel_loop3A_407 = tpu.vector_load %arg9[%parallel_loop3A_405, %parallel_loop3A_406] {strides = array<i32>} : memref<512x64xf32, #tpu.memory_space<vmem>>, vector<1x16xf32>,
            %parallel_loop3A_408 = vector.shape_cast %parallel_loop3A_407 : vector<1x16xf32> to vector<16xf32>
            %parallel_loop3A_409 = vector.shape_cast %parallel_loop3A_402 : vector<16xf32> to vector<1x16xf32>
            tpu.vector_store %arg9[%parallel_loop3A_405, %parallel_loop3A_406], %parallel_loop3A_409 {strides = array<i32>} : memref<512x64xf32, #tpu.memory_space<vmem>>, vector<1x16xf32>,
            %parallel_loop3A_410 = arith.index_cast %parallel_loop3A_364 : i32 to index
            %parallel_loop3A_411 = arith.constant 48 : index
            %parallel_loop3A_412 = tpu.vector_load %arg7[%parallel_loop3A_410, %parallel_loop3A_411] {strides = array<i32>} : memref<256x64xf32, #tpu.memory_space<vmem>>, vector<1x16xf32>,
            %parallel_loop3A_413 = vector.shape_cast %parallel_loop3A_412 : vector<1x16xf32> to vector<16xf32>
            %parallel_loop3A_414 = arith.constant 8.000000e+00 : f32
            %parallel_loop3A_415 = vector.broadcast %parallel_loop3A_414 : f32 to vector<16xf32>
            %parallel_loop3A_416 = arith.mulf %parallel_loop3A_413, %parallel_loop3A_415 : vector<16xf32>
            %parallel_loop3A_417 = arith.addf %parallel_loop3A_416, %get3A_15 : vector<16xf32>
            %parallel_loop3A_418 = arith.constant 0 : i32
            %parallel_loop3A_419 = arith.addi %parallel_loop3A_418, %parallel_loop3A_364 : i32
            %parallel_loop3A_420 = arith.index_cast %parallel_loop3A_419 : i32 to index
            %parallel_loop3A_421 = arith.constant 48 : index
            %parallel_loop3A_422 = tpu.vector_load %arg9[%parallel_loop3A_420, %parallel_loop3A_421] {strides = array<i32>} : memref<512x64xf32, #tpu.memory_space<vmem>>, vector<1x16xf32>,
            %parallel_loop3A_423 = vector.shape_cast %parallel_loop3A_422 : vector<1x16xf32> to vector<16xf32>
            %parallel_loop3A_424 = vector.shape_cast %parallel_loop3A_417 : vector<16xf32> to vector<1x16xf32>
            tpu.vector_store %arg9[%parallel_loop3A_420, %parallel_loop3A_421], %parallel_loop3A_424 {strides = array<i32>} : memref<512x64xf32, #tpu.memory_space<vmem>>, vector<1x16xf32>,
          } {sc.loop_unroll_factor = 4 : i64, sc.parallel_access}
          %jit3A_343 = arith.constant 2 : i32
          %eq3A_344 = arith.constant 0 : i32
          %eq3A_345 = arith.cmpi eq, %jit3A_343, %eq3A_344 : i32
          %jit3A_346 = arith.constant 1 : i32
          %select_n3A_347 = arith.select %eq3A_345, %jit3A_346, %jit3A_343 : i32
          %rem3A_348 = arith.remsi %add3A_54, %select_n3A_347 : i32
          %ne3A_349 = arith.constant 0 : i32
          %ne3A_350 = arith.cmpi ne, %rem3A_348, %ne3A_349 : i32
          %lt3A_351 = arith.constant 0 : i32
          %lt3A_352 = arith.cmpi slt, %rem3A_348, %lt3A_351 : i32
          %lt3A_353 = arith.constant 0 : i32
          %lt3A_354 = arith.cmpi slt, %select_n3A_347, %lt3A_353 : i32
          %ne3A_355 = arith.xori %lt3A_352, %lt3A_354 : i1
          %and3A_356 = arith.andi %ne3A_355, %ne3A_350 : i1
          %add3A_357 = arith.addi %rem3A_348, %select_n3A_347 : i32
          %select_n3A_358 = arith.select %and3A_356, %add3A_357, %rem3A_348 : i32
          %eq3A_359 = arith.constant 1 : i32
          %eq3A_360 = arith.cmpi eq, %select_n3A_358, %eq3A_359 : i32
          %convert_element_type3A_361 = arith.extui %eq3A_360 : i1 to i32
          %cond3A_362 = arith.constant 0 : i32
          %cond3A_363 = arith.cmpi ne, %convert_element_type3A_361, %cond3A_362 : i32
          scf.if %cond3A_363 {
            %jit3A_364 = arith.constant 2 : i32
            %div3A_365 = arith.divsi %add3A_54, %jit3A_364 : i32
            %sign3A_366 = arith.constant 0 : i32
            %sign3A_367 = arith.cmpi sgt, %add3A_54, %sign3A_366 : i32
            %sign3A_368 = arith.extui %sign3A_367 : i1 to i32
            %sign3A_369 = arith.constant 0 : i32
            %sign3A_370 = arith.cmpi slt, %add3A_54, %sign3A_369 : i32
            %sign3A_371 = arith.extui %sign3A_370 : i1 to i32
            %sign3A_372 = arith.subi %sign3A_368, %sign3A_371 : i32
            %sign3A_373 = arith.constant 0 : i32
            %sign3A_374 = arith.cmpi sgt, %jit3A_364, %sign3A_373 : i32
            %sign3A_375 = arith.extui %sign3A_374 : i1 to i32
            %sign3A_376 = arith.constant 0 : i32
            %sign3A_377 = arith.cmpi slt, %jit3A_364, %sign3A_376 : i32
            %sign3A_378 = arith.extui %sign3A_377 : i1 to i32
            %sign3A_379 = arith.subi %sign3A_375, %sign3A_378 : i32
            %ne3A_380 = arith.cmpi ne, %sign3A_372, %sign3A_379 : i32
            %rem3A_381 = arith.remsi %add3A_54, %jit3A_364 : i32
            %ne3A_382 = arith.constant 0 : i32
            %ne3A_383 = arith.cmpi ne, %rem3A_381, %ne3A_382 : i32
            %and3A_384 = arith.andi %ne3A_380, %ne3A_383 : i1
            %sub3A_385 = arith.constant 1 : i32
            %sub3A_386 = arith.subi %div3A_365, %sub3A_385 : i32
            %select_n3A_387 = arith.select %and3A_384, %sub3A_386, %div3A_365 : i32
            %mul3A_388 = arith.constant 2 : i32
            %mul3A_389 = arith.muli %select_n3A_387, %mul3A_388 : i32
            %mul3A_390 = arith.constant 256 : i32
            %mul3A_391 = arith.muli %mul3A_389, %mul3A_390 : i32
            %add3A_392 = arith.addi %mul3A_4, %mul3A_391 : i32
            %dma_start3A_393 = arith.constant 0 : i32
            %dma_start3A_394 = tpu.memref_slice %arg5[%add3A_392, %dma_start3A_393] : memref<819200x64xf32, #tpu.memory_space<hbm>> -> memref<512x64xf32, #tpu.memory_space<hbm>>
            %dma_start3A_395 = arith.constant 0 : i32
            %dma_start3A_396 = tpu.memref_slice %arg5[%add3A_392, %dma_start3A_395] : memref<819200x64xf32, #tpu.memory_space<hbm>> -> memref<512x64xf32, #tpu.memory_space<hbm>>
            tpu.enqueue_dma source(%arg9 : memref<512x64xf32, #tpu.memory_space<vmem>>) target(%dma_start3A_396 : memref<512x64xf32, #tpu.memory_space<hbm>>) target_semaphore(%arg14 : memref<!tpu.dma_semaphore, #tpu.memory_space<semaphore_mem>>)
          } else {
          }
        } else {
        }
        %jit3A_296 = arith.constant 2 : i32
        %div3A_297 = arith.divsi %add3A_54, %jit3A_296 : i32
        %sign3A_298 = arith.constant 0 : i32
        %sign3A_299 = arith.cmpi sgt, %add3A_54, %sign3A_298 : i32
        %sign3A_300 = arith.extui %sign3A_299 : i1 to i32
        %sign3A_301 = arith.constant 0 : i32
        %sign3A_302 = arith.cmpi slt, %add3A_54, %sign3A_301 : i32
        %sign3A_303 = arith.extui %sign3A_302 : i1 to i32
        %sign3A_304 = arith.subi %sign3A_300, %sign3A_303 : i32
        %sign3A_305 = arith.constant 0 : i32
        %sign3A_306 = arith.cmpi sgt, %jit3A_296, %sign3A_305 : i32
        %sign3A_307 = arith.extui %sign3A_306 : i1 to i32
        %sign3A_308 = arith.constant 0 : i32
        %sign3A_309 = arith.cmpi slt, %jit3A_296, %sign3A_308 : i32
        %sign3A_310 = arith.extui %sign3A_309 : i1 to i32
        %sign3A_311 = arith.subi %sign3A_307, %sign3A_310 : i32
        %ne3A_312 = arith.cmpi ne, %sign3A_304, %sign3A_311 : i32
        %rem3A_313 = arith.remsi %add3A_54, %jit3A_296 : i32
        %ne3A_314 = arith.constant 0 : i32
        %ne3A_315 = arith.cmpi ne, %rem3A_313, %ne3A_314 : i32
        %and3A_316 = arith.andi %ne3A_312, %ne3A_315 : i1
        %sub3A_317 = arith.constant 1 : i32
        %sub3A_318 = arith.subi %div3A_297, %sub3A_317 : i32
        %select_n3A_319 = arith.select %and3A_316, %sub3A_318, %div3A_297 : i32
        %jit3A_320 = arith.constant 2 : i32
        %eq3A_321 = arith.constant 0 : i32
        %eq3A_322 = arith.cmpi eq, %jit3A_320, %eq3A_321 : i32
        %jit3A_323 = arith.constant 1 : i32
        %select_n3A_324 = arith.select %eq3A_322, %jit3A_323, %jit3A_320 : i32
        %rem3A_325 = arith.remsi %select_n3A_319, %select_n3A_324 : i32
        %ne3A_326 = arith.constant 0 : i32
        %ne3A_327 = arith.cmpi ne, %rem3A_325, %ne3A_326 : i32
        %lt3A_328 = arith.constant 0 : i32
        %lt3A_329 = arith.cmpi slt, %rem3A_325, %lt3A_328 : i32
        %lt3A_330 = arith.constant 0 : i32
        %lt3A_331 = arith.cmpi slt, %select_n3A_324, %lt3A_330 : i32
        %ne3A_332 = arith.xori %lt3A_329, %lt3A_331 : i1
        %and3A_333 = arith.andi %ne3A_332, %ne3A_327 : i1
        %add3A_334 = arith.addi %rem3A_325, %select_n3A_324 : i32
        %select_n3A_335 = arith.select %and3A_333, %add3A_334, %rem3A_325 : i32
        %eq3A_336 = arith.constant 1 : i32
        %eq3A_337 = arith.cmpi eq, %select_n3A_335, %eq3A_336 : i32
        %convert_element_type3A_338 = arith.extui %eq3A_337 : i1 to i32
        %cond3A_339 = arith.constant 0 : i32
        %cond3A_340 = arith.cmpi ne, %convert_element_type3A_338, %cond3A_339 : i32
        scf.if %cond3A_340 {
          %parallel_loop3A = arith.constant 0 : i32
          %parallel_loop3A_341 = arith.constant 256 : i32
          %parallel_loop3A_342 = arith.constant 1 : i32
          scf.for %parallel_loop3A_364 = %parallel_loop3A to %parallel_loop3A_341 step %parallel_loop3A_342  : i32 {
            %parallel_loop3A_365 = arith.index_cast %parallel_loop3A_364 : i32 to index
            %parallel_loop3A_366 = arith.constant 0 : index
            %parallel_loop3A_367 = tpu.vector_load %arg7[%parallel_loop3A_365, %parallel_loop3A_366] {strides = array<i32>} : memref<256x64xf32, #tpu.memory_space<vmem>>, vector<1x16xf32>,
            %parallel_loop3A_368 = vector.shape_cast %parallel_loop3A_367 : vector<1x16xf32> to vector<16xf32>
            %parallel_loop3A_369 = arith.constant 8.000000e+00 : f32
            %parallel_loop3A_370 = vector.broadcast %parallel_loop3A_369 : f32 to vector<16xf32>
            %parallel_loop3A_371 = arith.mulf %parallel_loop3A_368, %parallel_loop3A_370 : vector<16xf32>
            %parallel_loop3A_372 = arith.addf %parallel_loop3A_371, %get3A_6 : vector<16xf32>
            %parallel_loop3A_373 = arith.constant 0 : i32
            %parallel_loop3A_374 = arith.addi %parallel_loop3A_373, %parallel_loop3A_364 : i32
            %parallel_loop3A_375 = arith.index_cast %parallel_loop3A_374 : i32 to index
            %parallel_loop3A_376 = arith.constant 0 : index
            %parallel_loop3A_377 = tpu.vector_load %arg10[%parallel_loop3A_375, %parallel_loop3A_376] {strides = array<i32>} : memref<512x64xf32, #tpu.memory_space<vmem>>, vector<1x16xf32>,
            %parallel_loop3A_378 = vector.shape_cast %parallel_loop3A_377 : vector<1x16xf32> to vector<16xf32>
            %parallel_loop3A_379 = vector.shape_cast %parallel_loop3A_372 : vector<16xf32> to vector<1x16xf32>
            tpu.vector_store %arg10[%parallel_loop3A_375, %parallel_loop3A_376], %parallel_loop3A_379 {strides = array<i32>} : memref<512x64xf32, #tpu.memory_space<vmem>>, vector<1x16xf32>,
            %parallel_loop3A_380 = arith.index_cast %parallel_loop3A_364 : i32 to index
            %parallel_loop3A_381 = arith.constant 16 : index
            %parallel_loop3A_382 = tpu.vector_load %arg7[%parallel_loop3A_380, %parallel_loop3A_381] {strides = array<i32>} : memref<256x64xf32, #tpu.memory_space<vmem>>, vector<1x16xf32>,
            %parallel_loop3A_383 = vector.shape_cast %parallel_loop3A_382 : vector<1x16xf32> to vector<16xf32>
            %parallel_loop3A_384 = arith.constant 8.000000e+00 : f32
            %parallel_loop3A_385 = vector.broadcast %parallel_loop3A_384 : f32 to vector<16xf32>
            %parallel_loop3A_386 = arith.mulf %parallel_loop3A_383, %parallel_loop3A_385 : vector<16xf32>
            %parallel_loop3A_387 = arith.addf %parallel_loop3A_386, %get3A_9 : vector<16xf32>
            %parallel_loop3A_388 = arith.constant 0 : i32
            %parallel_loop3A_389 = arith.addi %parallel_loop3A_388, %parallel_loop3A_364 : i32
            %parallel_loop3A_390 = arith.index_cast %parallel_loop3A_389 : i32 to index
            %parallel_loop3A_391 = arith.constant 16 : index
            %parallel_loop3A_392 = tpu.vector_load %arg10[%parallel_loop3A_390, %parallel_loop3A_391] {strides = array<i32>} : memref<512x64xf32, #tpu.memory_space<vmem>>, vector<1x16xf32>,
            %parallel_loop3A_393 = vector.shape_cast %parallel_loop3A_392 : vector<1x16xf32> to vector<16xf32>
            %parallel_loop3A_394 = vector.shape_cast %parallel_loop3A_387 : vector<16xf32> to vector<1x16xf32>
            tpu.vector_store %arg10[%parallel_loop3A_390, %parallel_loop3A_391], %parallel_loop3A_394 {strides = array<i32>} : memref<512x64xf32, #tpu.memory_space<vmem>>, vector<1x16xf32>,
            %parallel_loop3A_395 = arith.index_cast %parallel_loop3A_364 : i32 to index
            %parallel_loop3A_396 = arith.constant 32 : index
            %parallel_loop3A_397 = tpu.vector_load %arg7[%parallel_loop3A_395, %parallel_loop3A_396] {strides = array<i32>} : memref<256x64xf32, #tpu.memory_space<vmem>>, vector<1x16xf32>,
            %parallel_loop3A_398 = vector.shape_cast %parallel_loop3A_397 : vector<1x16xf32> to vector<16xf32>
            %parallel_loop3A_399 = arith.constant 8.000000e+00 : f32
            %parallel_loop3A_400 = vector.broadcast %parallel_loop3A_399 : f32 to vector<16xf32>
            %parallel_loop3A_401 = arith.mulf %parallel_loop3A_398, %parallel_loop3A_400 : vector<16xf32>
            %parallel_loop3A_402 = arith.addf %parallel_loop3A_401, %get3A_12 : vector<16xf32>
            %parallel_loop3A_403 = arith.constant 0 : i32
            %parallel_loop3A_404 = arith.addi %parallel_loop3A_403, %parallel_loop3A_364 : i32
            %parallel_loop3A_405 = arith.index_cast %parallel_loop3A_404 : i32 to index
            %parallel_loop3A_406 = arith.constant 32 : index
            %parallel_loop3A_407 = tpu.vector_load %arg10[%parallel_loop3A_405, %parallel_loop3A_406] {strides = array<i32>} : memref<512x64xf32, #tpu.memory_space<vmem>>, vector<1x16xf32>,
            %parallel_loop3A_408 = vector.shape_cast %parallel_loop3A_407 : vector<1x16xf32> to vector<16xf32>
            %parallel_loop3A_409 = vector.shape_cast %parallel_loop3A_402 : vector<16xf32> to vector<1x16xf32>
            tpu.vector_store %arg10[%parallel_loop3A_405, %parallel_loop3A_406], %parallel_loop3A_409 {strides = array<i32>} : memref<512x64xf32, #tpu.memory_space<vmem>>, vector<1x16xf32>,
            %parallel_loop3A_410 = arith.index_cast %parallel_loop3A_364 : i32 to index
            %parallel_loop3A_411 = arith.constant 48 : index
            %parallel_loop3A_412 = tpu.vector_load %arg7[%parallel_loop3A_410, %parallel_loop3A_411] {strides = array<i32>} : memref<256x64xf32, #tpu.memory_space<vmem>>, vector<1x16xf32>,
            %parallel_loop3A_413 = vector.shape_cast %parallel_loop3A_412 : vector<1x16xf32> to vector<16xf32>
            %parallel_loop3A_414 = arith.constant 8.000000e+00 : f32
            %parallel_loop3A_415 = vector.broadcast %parallel_loop3A_414 : f32 to vector<16xf32>
            %parallel_loop3A_416 = arith.mulf %parallel_loop3A_413, %parallel_loop3A_415 : vector<16xf32>
            %parallel_loop3A_417 = arith.addf %parallel_loop3A_416, %get3A_15 : vector<16xf32>
            %parallel_loop3A_418 = arith.constant 0 : i32
            %parallel_loop3A_419 = arith.addi %parallel_loop3A_418, %parallel_loop3A_364 : i32
            %parallel_loop3A_420 = arith.index_cast %parallel_loop3A_419 : i32 to index
            %parallel_loop3A_421 = arith.constant 48 : index
            %parallel_loop3A_422 = tpu.vector_load %arg10[%parallel_loop3A_420, %parallel_loop3A_421] {strides = array<i32>} : memref<512x64xf32, #tpu.memory_space<vmem>>, vector<1x16xf32>,
            %parallel_loop3A_423 = vector.shape_cast %parallel_loop3A_422 : vector<1x16xf32> to vector<16xf32>
            %parallel_loop3A_424 = vector.shape_cast %parallel_loop3A_417 : vector<16xf32> to vector<1x16xf32>
            tpu.vector_store %arg10[%parallel_loop3A_420, %parallel_loop3A_421], %parallel_loop3A_424 {strides = array<i32>} : memref<512x64xf32, #tpu.memory_space<vmem>>, vector<1x16xf32>,
          } {sc.loop_unroll_factor = 4 : i64, sc.parallel_access}
          %jit3A_343 = arith.constant 2 : i32
          %eq3A_344 = arith.constant 0 : i32
          %eq3A_345 = arith.cmpi eq, %jit3A_343, %eq3A_344 : i32
          %jit3A_346 = arith.constant 1 : i32
          %select_n3A_347 = arith.select %eq3A_345, %jit3A_346, %jit3A_343 : i32
          %rem3A_348 = arith.remsi %add3A_54, %select_n3A_347 : i32
          %ne3A_349 = arith.constant 0 : i32
          %ne3A_350 = arith.cmpi ne, %rem3A_348, %ne3A_349 : i32
          %lt3A_351 = arith.constant 0 : i32
          %lt3A_352 = arith.cmpi slt, %rem3A_348, %lt3A_351 : i32
          %lt3A_353 = arith.constant 0 : i32
          %lt3A_354 = arith.cmpi slt, %select_n3A_347, %lt3A_353 : i32
          %ne3A_355 = arith.xori %lt3A_352, %lt3A_354 : i1
          %and3A_356 = arith.andi %ne3A_355, %ne3A_350 : i1
          %add3A_357 = arith.addi %rem3A_348, %select_n3A_347 : i32
          %select_n3A_358 = arith.select %and3A_356, %add3A_357, %rem3A_348 : i32
          %eq3A_359 = arith.constant 1 : i32
          %eq3A_360 = arith.cmpi eq, %select_n3A_358, %eq3A_359 : i32
          %convert_element_type3A_361 = arith.extui %eq3A_360 : i1 to i32
          %cond3A_362 = arith.constant 0 : i32
          %cond3A_363 = arith.cmpi ne, %convert_element_type3A_361, %cond3A_362 : i32
          scf.if %cond3A_363 {
            %jit3A_364 = arith.constant 2 : i32
            %div3A_365 = arith.divsi %add3A_54, %jit3A_364 : i32
            %sign3A_366 = arith.constant 0 : i32
            %sign3A_367 = arith.cmpi sgt, %add3A_54, %sign3A_366 : i32
            %sign3A_368 = arith.extui %sign3A_367 : i1 to i32
            %sign3A_369 = arith.constant 0 : i32
            %sign3A_370 = arith.cmpi slt, %add3A_54, %sign3A_369 : i32
            %sign3A_371 = arith.extui %sign3A_370 : i1 to i32
            %sign3A_372 = arith.subi %sign3A_368, %sign3A_371 : i32
            %sign3A_373 = arith.constant 0 : i32
            %sign3A_374 = arith.cmpi sgt, %jit3A_364, %sign3A_373 : i32
            %sign3A_375 = arith.extui %sign3A_374 : i1 to i32
            %sign3A_376 = arith.constant 0 : i32
            %sign3A_377 = arith.cmpi slt, %jit3A_364, %sign3A_376 : i32
            %sign3A_378 = arith.extui %sign3A_377 : i1 to i32
            %sign3A_379 = arith.subi %sign3A_375, %sign3A_378 : i32
            %ne3A_380 = arith.cmpi ne, %sign3A_372, %sign3A_379 : i32
            %rem3A_381 = arith.remsi %add3A_54, %jit3A_364 : i32
            %ne3A_382 = arith.constant 0 : i32
            %ne3A_383 = arith.cmpi ne, %rem3A_381, %ne3A_382 : i32
            %and3A_384 = arith.andi %ne3A_380, %ne3A_383 : i1
            %sub3A_385 = arith.constant 1 : i32
            %sub3A_386 = arith.subi %div3A_365, %sub3A_385 : i32
            %select_n3A_387 = arith.select %and3A_384, %sub3A_386, %div3A_365 : i32
            %mul3A_388 = arith.constant 2 : i32
            %mul3A_389 = arith.muli %select_n3A_387, %mul3A_388 : i32
            %mul3A_390 = arith.constant 256 : i32
            %mul3A_391 = arith.muli %mul3A_389, %mul3A_390 : i32
            %add3A_392 = arith.addi %mul3A_4, %mul3A_391 : i32
            %dma_start3A_393 = arith.constant 0 : i32
            %dma_start3A_394 = tpu.memref_slice %arg5[%add3A_392, %dma_start3A_393] : memref<819200x64xf32, #tpu.memory_space<hbm>> -> memref<512x64xf32, #tpu.memory_space<hbm>>
            %dma_start3A_395 = arith.constant 0 : i32
            %dma_start3A_396 = tpu.memref_slice %arg5[%add3A_392, %dma_start3A_395] : memref<819200x64xf32, #tpu.memory_space<hbm>> -> memref<512x64xf32, #tpu.memory_space<hbm>>
            tpu.enqueue_dma source(%arg10 : memref<512x64xf32, #tpu.memory_space<vmem>>) target(%dma_start3A_396 : memref<512x64xf32, #tpu.memory_space<hbm>>) target_semaphore(%arg15 : memref<!tpu.dma_semaphore, #tpu.memory_space<semaphore_mem>>)
          } else {
          }
        } else {
        }
      } else {
      }
      %jit3A_67 = arith.constant 2 : i32
      %eq3A_68 = arith.constant 0 : i32
      %eq3A_69 = arith.cmpi eq, %jit3A_67, %eq3A_68 : i32
      %jit3A_70 = arith.constant 1 : i32
      %select_n3A_71 = arith.select %eq3A_69, %jit3A_70, %jit3A_67 : i32
      %rem3A_72 = arith.remsi %add3A_54, %select_n3A_71 : i32
      %ne3A_73 = arith.constant 0 : i32
      %ne3A_74 = arith.cmpi ne, %rem3A_72, %ne3A_73 : i32
      %lt3A_75 = arith.constant 0 : i32
      %lt3A_76 = arith.cmpi slt, %rem3A_72, %lt3A_75 : i32
      %lt3A_77 = arith.constant 0 : i32
      %lt3A_78 = arith.cmpi slt, %select_n3A_71, %lt3A_77 : i32
      %ne3A_79 = arith.xori %lt3A_76, %lt3A_78 : i1
      %and3A_80 = arith.andi %ne3A_79, %ne3A_74 : i1
      %add3A_81 = arith.addi %rem3A_72, %select_n3A_71 : i32
      %select_n3A_82 = arith.select %and3A_80, %add3A_81, %rem3A_72 : i32
      %eq3A_83 = arith.constant 1 : i32
      %eq3A_84 = arith.cmpi eq, %select_n3A_82, %eq3A_83 : i32
      %convert_element_type3A_85 = arith.extui %eq3A_84 : i1 to i32
      %cond3A_86 = arith.constant 0 : i32
      %cond3A_87 = arith.cmpi ne, %convert_element_type3A_85, %cond3A_86 : i32
      scf.if %cond3A_87 {
        %add3A_88 = arith.constant 1 : i32
        %add3A_89 = arith.addi %add3A_54, %add3A_88 : i32
        %lt3A_90 = arith.constant 100 : i32
        %lt3A_91 = arith.cmpi slt, %add3A_89, %lt3A_90 : i32
        %convert_element_type3A_92 = arith.extui %lt3A_91 : i1 to i32
        %cond3A_93 = arith.constant 0 : i32
        %cond3A_94 = arith.cmpi ne, %convert_element_type3A_92, %cond3A_93 : i32
        scf.if %cond3A_94 {
          %add3A_341 = arith.constant 1 : i32
          %add3A_342 = arith.addi %add3A_54, %add3A_341 : i32
          %mul3A_343 = arith.constant 2 : i32
          %mul3A_344 = arith.muli %add3A_342, %mul3A_343 : i32
          %add3A_345 = arith.constant 0 : i32
          %add3A_346 = arith.addi %mul3A_344, %add3A_345 : i32
          %dma_start3A_347 = arith.constant 0 : i32
          %dma_start3A_348 = arith.constant 0 : i32
          %dma_start3A_349 = tpu.memref_slice %arg7[%dma_start3A_347, %dma_start3A_348] : memref<256x64xf32, #tpu.memory_space<vmem>> -> memref<128x64xf32, #tpu.memory_space<vmem>>
          %dma_start3A_350 = arith.constant 0 : i32
          %dma_start3A_351 = tpu.memref_slice %arg6[%add3A_346, %dma_start3A_350] : memref<200x128xi32, #tpu.memory_space<vmem>> -> memref<1x128xi32, #tpu.memory_space<vmem>>
          %dma_start3A_352 = tpu.memref_squeeze %dma_start3A_351 : memref<1x128xi32, #tpu.memory_space<vmem>> -> memref<128xi32, #tpu.memory_space<vmem>>
          %dma_start3A_353 = arith.constant 0 : i32
          %dma_start3A_354 = arith.constant 0 : i32
          %dma_start3A_355 = tpu.memref_slice %arg2[%dma_start3A_353, %dma_start3A_354] : memref<1000000x64xf32, #tpu.memory_space<hbm>> -> memref<1000000x64xf32, #tpu.memory_space<hbm>>
          tpu.enqueue_indirect_dma source(%dma_start3A_355 : memref<1000000x64xf32, #tpu.memory_space<hbm>>) target(%dma_start3A_349 : memref<128x64xf32, #tpu.memory_space<vmem>>) offsets(%dma_start3A_352 : memref<128xi32, #tpu.memory_space<vmem>>) semaphore(%arg12 : memref<!tpu.dma_semaphore, #tpu.memory_space<semaphore_mem>>)
          %mul3A_356 = arith.constant 2 : i32
          %mul3A_357 = arith.muli %add3A_342, %mul3A_356 : i32
          %add3A_358 = arith.constant 1 : i32
          %add3A_359 = arith.addi %mul3A_357, %add3A_358 : i32
          %dma_start3A_360 = arith.constant 128 : i32
          %dma_start3A_361 = arith.constant 0 : i32
          %dma_start3A_362 = tpu.memref_slice %arg7[%dma_start3A_360, %dma_start3A_361] : memref<256x64xf32, #tpu.memory_space<vmem>> -> memref<128x64xf32, #tpu.memory_space<vmem>>
          %dma_start3A_363 = arith.constant 0 : i32
          %dma_start3A_364 = tpu.memref_slice %arg6[%add3A_359, %dma_start3A_363] : memref<200x128xi32, #tpu.memory_space<vmem>> -> memref<1x128xi32, #tpu.memory_space<vmem>>
          %dma_start3A_365 = tpu.memref_squeeze %dma_start3A_364 : memref<1x128xi32, #tpu.memory_space<vmem>> -> memref<128xi32, #tpu.memory_space<vmem>>
          %dma_start3A_366 = arith.constant 0 : i32
          %dma_start3A_367 = arith.constant 0 : i32
          %dma_start3A_368 = tpu.memref_slice %arg2[%dma_start3A_366, %dma_start3A_367] : memref<1000000x64xf32, #tpu.memory_space<hbm>> -> memref<1000000x64xf32, #tpu.memory_space<hbm>>
          tpu.enqueue_indirect_dma source(%dma_start3A_368 : memref<1000000x64xf32, #tpu.memory_space<hbm>>) target(%dma_start3A_362 : memref<128x64xf32, #tpu.memory_space<vmem>>) offsets(%dma_start3A_365 : memref<128xi32, #tpu.memory_space<vmem>>) semaphore(%arg12 : memref<!tpu.dma_semaphore, #tpu.memory_space<semaphore_mem>>)
        } else {
        }
        %mul3A_95 = arith.constant 2 : i32
        %mul3A_96 = arith.muli %add3A_54, %mul3A_95 : i32
        %add3A_97 = arith.constant 0 : i32
        %add3A_98 = arith.addi %mul3A_96, %add3A_97 : i32
        %dma_wait3A_99 = arith.constant 0 : i32
        %dma_wait3A_100 = arith.constant 0 : i32
        %dma_wait3A_101 = tpu.memref_slice %arg8[%dma_wait3A_99, %dma_wait3A_100] : memref<256x64xf32, #tpu.memory_space<vmem>> -> memref<128x64xf32, #tpu.memory_space<vmem>>
        %dma_wait3A_102 = arith.constant 0 : i32
        %dma_wait3A_103 = tpu.memref_slice %arg6[%add3A_98, %dma_wait3A_102] : memref<200x128xi32, #tpu.memory_space<vmem>> -> memref<1x128xi32, #tpu.memory_space<vmem>>
        %dma_wait3A_104 = tpu.memref_squeeze %dma_wait3A_103 : memref<1x128xi32, #tpu.memory_space<vmem>> -> memref<128xi32, #tpu.memory_space<vmem>>
        %dma_wait3A_105 = arith.constant 0 : i32
        %dma_wait3A_106 = arith.constant 0 : i32
        %dma_wait3A_107 = tpu.memref_slice %arg2[%dma_wait3A_105, %dma_wait3A_106] : memref<1000000x64xf32, #tpu.memory_space<hbm>> -> memref<1000000x64xf32, #tpu.memory_space<hbm>>
        tpu.wait_indirect_dma semaphore(%arg13 : memref<!tpu.dma_semaphore, #tpu.memory_space<semaphore_mem>>) src(%dma_wait3A_107 : memref<1000000x64xf32, #tpu.memory_space<hbm>>) dst(%dma_wait3A_101 : memref<128x64xf32, #tpu.memory_space<vmem>>)
        %mul3A_108 = arith.constant 2 : i32
        %mul3A_109 = arith.muli %add3A_54, %mul3A_108 : i32
        %add3A_110 = arith.constant 1 : i32
        %add3A_111 = arith.addi %mul3A_109, %add3A_110 : i32
        %dma_wait3A_112 = arith.constant 128 : i32
        %dma_wait3A_113 = arith.constant 0 : i32
        %dma_wait3A_114 = tpu.memref_slice %arg8[%dma_wait3A_112, %dma_wait3A_113] : memref<256x64xf32, #tpu.memory_space<vmem>> -> memref<128x64xf32, #tpu.memory_space<vmem>>
        %dma_wait3A_115 = arith.constant 0 : i32
        %dma_wait3A_116 = tpu.memref_slice %arg6[%add3A_111, %dma_wait3A_115] : memref<200x128xi32, #tpu.memory_space<vmem>> -> memref<1x128xi32, #tpu.memory_space<vmem>>
        %dma_wait3A_117 = tpu.memref_squeeze %dma_wait3A_116 : memref<1x128xi32, #tpu.memory_space<vmem>> -> memref<128xi32, #tpu.memory_space<vmem>>
        %dma_wait3A_118 = arith.constant 0 : i32
        %dma_wait3A_119 = arith.constant 0 : i32
        %dma_wait3A_120 = tpu.memref_slice %arg2[%dma_wait3A_118, %dma_wait3A_119] : memref<1000000x64xf32, #tpu.memory_space<hbm>> -> memref<1000000x64xf32, #tpu.memory_space<hbm>>
        tpu.wait_indirect_dma semaphore(%arg13 : memref<!tpu.dma_semaphore, #tpu.memory_space<semaphore_mem>>) src(%dma_wait3A_120 : memref<1000000x64xf32, #tpu.memory_space<hbm>>) dst(%dma_wait3A_114 : memref<128x64xf32, #tpu.memory_space<vmem>>)
        %jit3A_121 = arith.constant 2 : i32
        %div3A = arith.divsi %add3A_54, %jit3A_121 : i32
        %sign3A = arith.constant 0 : i32
        %sign3A_122 = arith.cmpi sgt, %add3A_54, %sign3A : i32
        %sign3A_123 = arith.extui %sign3A_122 : i1 to i32
        %sign3A_124 = arith.constant 0 : i32
        %sign3A_125 = arith.cmpi slt, %add3A_54, %sign3A_124 : i32
        %sign3A_126 = arith.extui %sign3A_125 : i1 to i32
        %sign3A_127 = arith.subi %sign3A_123, %sign3A_126 : i32
        %sign3A_128 = arith.constant 0 : i32
        %sign3A_129 = arith.cmpi sgt, %jit3A_121, %sign3A_128 : i32
        %sign3A_130 = arith.extui %sign3A_129 : i1 to i32
        %sign3A_131 = arith.constant 0 : i32
        %sign3A_132 = arith.cmpi slt, %jit3A_121, %sign3A_131 : i32
        %sign3A_133 = arith.extui %sign3A_132 : i1 to i32
        %sign3A_134 = arith.subi %sign3A_130, %sign3A_133 : i32
        %ne3A_135 = arith.cmpi ne, %sign3A_127, %sign3A_134 : i32
        %rem3A_136 = arith.remsi %add3A_54, %jit3A_121 : i32
        %ne3A_137 = arith.constant 0 : i32
        %ne3A_138 = arith.cmpi ne, %rem3A_136, %ne3A_137 : i32
        %and3A_139 = arith.andi %ne3A_135, %ne3A_138 : i1
        %sub3A = arith.constant 1 : i32
        %sub3A_140 = arith.subi %div3A, %sub3A : i32
        %select_n3A_141 = arith.select %and3A_139, %sub3A_140, %div3A : i32
        %jit3A_142 = arith.constant 2 : i32
        %eq3A_143 = arith.constant 0 : i32
        %eq3A_144 = arith.cmpi eq, %jit3A_142, %eq3A_143 : i32
        %jit3A_145 = arith.constant 1 : i32
        %select_n3A_146 = arith.select %eq3A_144, %jit3A_145, %jit3A_142 : i32
        %rem3A_147 = arith.remsi %select_n3A_141, %select_n3A_146 : i32
        %ne3A_148 = arith.constant 0 : i32
        %ne3A_149 = arith.cmpi ne, %rem3A_147, %ne3A_148 : i32
        %lt3A_150 = arith.constant 0 : i32
        %lt3A_151 = arith.cmpi slt, %rem3A_147, %lt3A_150 : i32
        %lt3A_152 = arith.constant 0 : i32
        %lt3A_153 = arith.cmpi slt, %select_n3A_146, %lt3A_152 : i32
        %ne3A_154 = arith.xori %lt3A_151, %lt3A_153 : i1
        %and3A_155 = arith.andi %ne3A_154, %ne3A_149 : i1
        %add3A_156 = arith.addi %rem3A_147, %select_n3A_146 : i32
        %select_n3A_157 = arith.select %and3A_155, %add3A_156, %rem3A_147 : i32
        %eq3A_158 = arith.constant 0 : i32
        %eq3A_159 = arith.cmpi eq, %select_n3A_157, %eq3A_158 : i32
        %jit3A_160 = arith.constant 2 : i32
        %eq3A_161 = arith.constant 0 : i32
        %eq3A_162 = arith.cmpi eq, %jit3A_160, %eq3A_161 : i32
        %jit3A_163 = arith.constant 1 : i32
        %select_n3A_164 = arith.select %eq3A_162, %jit3A_163, %jit3A_160 : i32
        %rem3A_165 = arith.remsi %add3A_54, %select_n3A_164 : i32
        %ne3A_166 = arith.constant 0 : i32
        %ne3A_167 = arith.cmpi ne, %rem3A_165, %ne3A_166 : i32
        %lt3A_168 = arith.constant 0 : i32
        %lt3A_169 = arith.cmpi slt, %rem3A_165, %lt3A_168 : i32
        %lt3A_170 = arith.constant 0 : i32
        %lt3A_171 = arith.cmpi slt, %select_n3A_164, %lt3A_170 : i32
        %ne3A_172 = arith.xori %lt3A_169, %lt3A_171 : i1
        %and3A_173 = arith.andi %ne3A_172, %ne3A_167 : i1
        %add3A_174 = arith.addi %rem3A_165, %select_n3A_164 : i32
        %select_n3A_175 = arith.select %and3A_173, %add3A_174, %rem3A_165 : i32
        %eq3A_176 = arith.constant 0 : i32
        %eq3A_177 = arith.cmpi eq, %select_n3A_175, %eq3A_176 : i32
        %and3A_178 = arith.andi %eq3A_159, %eq3A_177 : i1
        %ge3A = arith.constant 4 : i32
        %ge3A_179 = arith.cmpi sge, %add3A_54, %ge3A : i32
        %and3A_180 = arith.andi %and3A_178, %ge3A_179 : i1
        %convert_element_type3A_181 = arith.extui %and3A_180 : i1 to i32
        %cond3A_182 = arith.constant 0 : i32
        %cond3A_183 = arith.cmpi ne, %convert_element_type3A_181, %cond3A_182 : i32
        scf.if %cond3A_183 {
          %jit3A_341 = arith.constant 2 : i32
          %div3A_342 = arith.divsi %add3A_54, %jit3A_341 : i32
          %sign3A_343 = arith.constant 0 : i32
          %sign3A_344 = arith.cmpi sgt, %add3A_54, %sign3A_343 : i32
          %sign3A_345 = arith.extui %sign3A_344 : i1 to i32
          %sign3A_346 = arith.constant 0 : i32
          %sign3A_347 = arith.cmpi slt, %add3A_54, %sign3A_346 : i32
          %sign3A_348 = arith.extui %sign3A_347 : i1 to i32
          %sign3A_349 = arith.subi %sign3A_345, %sign3A_348 : i32
          %sign3A_350 = arith.constant 0 : i32
          %sign3A_351 = arith.cmpi sgt, %jit3A_341, %sign3A_350 : i32
          %sign3A_352 = arith.extui %sign3A_351 : i1 to i32
          %sign3A_353 = arith.constant 0 : i32
          %sign3A_354 = arith.cmpi slt, %jit3A_341, %sign3A_353 : i32
          %sign3A_355 = arith.extui %sign3A_354 : i1 to i32
          %sign3A_356 = arith.subi %sign3A_352, %sign3A_355 : i32
          %ne3A_357 = arith.cmpi ne, %sign3A_349, %sign3A_356 : i32
          %rem3A_358 = arith.remsi %add3A_54, %jit3A_341 : i32
          %ne3A_359 = arith.constant 0 : i32
          %ne3A_360 = arith.cmpi ne, %rem3A_358, %ne3A_359 : i32
          %and3A_361 = arith.andi %ne3A_357, %ne3A_360 : i1
          %sub3A_362 = arith.constant 1 : i32
          %sub3A_363 = arith.subi %div3A_342, %sub3A_362 : i32
          %select_n3A_364 = arith.select %and3A_361, %sub3A_363, %div3A_342 : i32
          %sub3A_365 = arith.constant 2 : i32
          %sub3A_366 = arith.subi %select_n3A_364, %sub3A_365 : i32
          %mul3A_367 = arith.constant 2 : i32
          %mul3A_368 = arith.muli %sub3A_366, %mul3A_367 : i32
          %mul3A_369 = arith.constant 256 : i32
          %mul3A_370 = arith.muli %mul3A_368, %mul3A_369 : i32
          %add3A_371 = arith.addi %mul3A_4, %mul3A_370 : i32
          %dma_wait3A_372 = arith.constant 0 : i32
          %dma_wait3A_373 = tpu.memref_slice %arg5[%add3A_371, %dma_wait3A_372] : memref<819200x64xf32, #tpu.memory_space<hbm>> -> memref<512x64xf32, #tpu.memory_space<hbm>>
          %dma_wait3A_374 = arith.constant 0 : i32
          %dma_wait3A_375 = tpu.memref_slice %arg5[%add3A_371, %dma_wait3A_374] : memref<819200x64xf32, #tpu.memory_space<hbm>> -> memref<512x64xf32, #tpu.memory_space<hbm>>
          tpu.wait_dma2 semaphore(%arg14 : memref<!tpu.dma_semaphore, #tpu.memory_space<semaphore_mem>>) src(%arg9 : memref<512x64xf32, #tpu.memory_space<vmem>>) dst(%dma_wait3A_375 : memref<512x64xf32, #tpu.memory_space<hbm>>)
        } else {
        }
        %jit3A_184 = arith.constant 2 : i32
        %div3A_185 = arith.divsi %add3A_54, %jit3A_184 : i32
        %sign3A_186 = arith.constant 0 : i32
        %sign3A_187 = arith.cmpi sgt, %add3A_54, %sign3A_186 : i32
        %sign3A_188 = arith.extui %sign3A_187 : i1 to i32
        %sign3A_189 = arith.constant 0 : i32
        %sign3A_190 = arith.cmpi slt, %add3A_54, %sign3A_189 : i32
        %sign3A_191 = arith.extui %sign3A_190 : i1 to i32
        %sign3A_192 = arith.subi %sign3A_188, %sign3A_191 : i32
        %sign3A_193 = arith.constant 0 : i32
        %sign3A_194 = arith.cmpi sgt, %jit3A_184, %sign3A_193 : i32
        %sign3A_195 = arith.extui %sign3A_194 : i1 to i32
        %sign3A_196 = arith.constant 0 : i32
        %sign3A_197 = arith.cmpi slt, %jit3A_184, %sign3A_196 : i32
        %sign3A_198 = arith.extui %sign3A_197 : i1 to i32
        %sign3A_199 = arith.subi %sign3A_195, %sign3A_198 : i32
        %ne3A_200 = arith.cmpi ne, %sign3A_192, %sign3A_199 : i32
        %rem3A_201 = arith.remsi %add3A_54, %jit3A_184 : i32
        %ne3A_202 = arith.constant 0 : i32
        %ne3A_203 = arith.cmpi ne, %rem3A_201, %ne3A_202 : i32
        %and3A_204 = arith.andi %ne3A_200, %ne3A_203 : i1
        %sub3A_205 = arith.constant 1 : i32
        %sub3A_206 = arith.subi %div3A_185, %sub3A_205 : i32
        %select_n3A_207 = arith.select %and3A_204, %sub3A_206, %div3A_185 : i32
        %jit3A_208 = arith.constant 2 : i32
        %eq3A_209 = arith.constant 0 : i32
        %eq3A_210 = arith.cmpi eq, %jit3A_208, %eq3A_209 : i32
        %jit3A_211 = arith.constant 1 : i32
        %select_n3A_212 = arith.select %eq3A_210, %jit3A_211, %jit3A_208 : i32
        %rem3A_213 = arith.remsi %select_n3A_207, %select_n3A_212 : i32
        %ne3A_214 = arith.constant 0 : i32
        %ne3A_215 = arith.cmpi ne, %rem3A_213, %ne3A_214 : i32
        %lt3A_216 = arith.constant 0 : i32
        %lt3A_217 = arith.cmpi slt, %rem3A_213, %lt3A_216 : i32
        %lt3A_218 = arith.constant 0 : i32
        %lt3A_219 = arith.cmpi slt, %select_n3A_212, %lt3A_218 : i32
        %ne3A_220 = arith.xori %lt3A_217, %lt3A_219 : i1
        %and3A_221 = arith.andi %ne3A_220, %ne3A_215 : i1
        %add3A_222 = arith.addi %rem3A_213, %select_n3A_212 : i32
        %select_n3A_223 = arith.select %and3A_221, %add3A_222, %rem3A_213 : i32
        %eq3A_224 = arith.constant 1 : i32
        %eq3A_225 = arith.cmpi eq, %select_n3A_223, %eq3A_224 : i32
        %jit3A_226 = arith.constant 2 : i32
        %eq3A_227 = arith.constant 0 : i32
        %eq3A_228 = arith.cmpi eq, %jit3A_226, %eq3A_227 : i32
        %jit3A_229 = arith.constant 1 : i32
        %select_n3A_230 = arith.select %eq3A_228, %jit3A_229, %jit3A_226 : i32
        %rem3A_231 = arith.remsi %add3A_54, %select_n3A_230 : i32
        %ne3A_232 = arith.constant 0 : i32
        %ne3A_233 = arith.cmpi ne, %rem3A_231, %ne3A_232 : i32
        %lt3A_234 = arith.constant 0 : i32
        %lt3A_235 = arith.cmpi slt, %rem3A_231, %lt3A_234 : i32
        %lt3A_236 = arith.constant 0 : i32
        %lt3A_237 = arith.cmpi slt, %select_n3A_230, %lt3A_236 : i32
        %ne3A_238 = arith.xori %lt3A_235, %lt3A_237 : i1
        %and3A_239 = arith.andi %ne3A_238, %ne3A_233 : i1
        %add3A_240 = arith.addi %rem3A_231, %select_n3A_230 : i32
        %select_n3A_241 = arith.select %and3A_239, %add3A_240, %rem3A_231 : i32
        %eq3A_242 = arith.constant 0 : i32
        %eq3A_243 = arith.cmpi eq, %select_n3A_241, %eq3A_242 : i32
        %and3A_244 = arith.andi %eq3A_225, %eq3A_243 : i1
        %ge3A_245 = arith.constant 4 : i32
        %ge3A_246 = arith.cmpi sge, %add3A_54, %ge3A_245 : i32
        %and3A_247 = arith.andi %and3A_244, %ge3A_246 : i1
        %convert_element_type3A_248 = arith.extui %and3A_247 : i1 to i32
        %cond3A_249 = arith.constant 0 : i32
        %cond3A_250 = arith.cmpi ne, %convert_element_type3A_248, %cond3A_249 : i32
        scf.if %cond3A_250 {
          %jit3A_341 = arith.constant 2 : i32
          %div3A_342 = arith.divsi %add3A_54, %jit3A_341 : i32
          %sign3A_343 = arith.constant 0 : i32
          %sign3A_344 = arith.cmpi sgt, %add3A_54, %sign3A_343 : i32
          %sign3A_345 = arith.extui %sign3A_344 : i1 to i32
          %sign3A_346 = arith.constant 0 : i32
          %sign3A_347 = arith.cmpi slt, %add3A_54, %sign3A_346 : i32
          %sign3A_348 = arith.extui %sign3A_347 : i1 to i32
          %sign3A_349 = arith.subi %sign3A_345, %sign3A_348 : i32
          %sign3A_350 = arith.constant 0 : i32
          %sign3A_351 = arith.cmpi sgt, %jit3A_341, %sign3A_350 : i32
          %sign3A_352 = arith.extui %sign3A_351 : i1 to i32
          %sign3A_353 = arith.constant 0 : i32
          %sign3A_354 = arith.cmpi slt, %jit3A_341, %sign3A_353 : i32
          %sign3A_355 = arith.extui %sign3A_354 : i1 to i32
          %sign3A_356 = arith.subi %sign3A_352, %sign3A_355 : i32
          %ne3A_357 = arith.cmpi ne, %sign3A_349, %sign3A_356 : i32
          %rem3A_358 = arith.remsi %add3A_54, %jit3A_341 : i32
          %ne3A_359 = arith.constant 0 : i32
          %ne3A_360 = arith.cmpi ne, %rem3A_358, %ne3A_359 : i32
          %and3A_361 = arith.andi %ne3A_357, %ne3A_360 : i1
          %sub3A_362 = arith.constant 1 : i32
          %sub3A_363 = arith.subi %div3A_342, %sub3A_362 : i32
          %select_n3A_364 = arith.select %and3A_361, %sub3A_363, %div3A_342 : i32
          %sub3A_365 = arith.constant 2 : i32
          %sub3A_366 = arith.subi %select_n3A_364, %sub3A_365 : i32
          %mul3A_367 = arith.constant 2 : i32
          %mul3A_368 = arith.muli %sub3A_366, %mul3A_367 : i32
          %mul3A_369 = arith.constant 256 : i32
          %mul3A_370 = arith.muli %mul3A_368, %mul3A_369 : i32
          %add3A_371 = arith.addi %mul3A_4, %mul3A_370 : i32
          %dma_wait3A_372 = arith.constant 0 : i32
          %dma_wait3A_373 = tpu.memref_slice %arg5[%add3A_371, %dma_wait3A_372] : memref<819200x64xf32, #tpu.memory_space<hbm>> -> memref<512x64xf32, #tpu.memory_space<hbm>>
          %dma_wait3A_374 = arith.constant 0 : i32
          %dma_wait3A_375 = tpu.memref_slice %arg5[%add3A_371, %dma_wait3A_374] : memref<819200x64xf32, #tpu.memory_space<hbm>> -> memref<512x64xf32, #tpu.memory_space<hbm>>
          tpu.wait_dma2 semaphore(%arg15 : memref<!tpu.dma_semaphore, #tpu.memory_space<semaphore_mem>>) src(%arg10 : memref<512x64xf32, #tpu.memory_space<vmem>>) dst(%dma_wait3A_375 : memref<512x64xf32, #tpu.memory_space<hbm>>)
        } else {
        }
        %jit3A_251 = arith.constant 2 : i32
        %div3A_252 = arith.divsi %add3A_54, %jit3A_251 : i32
        %sign3A_253 = arith.constant 0 : i32
        %sign3A_254 = arith.cmpi sgt, %add3A_54, %sign3A_253 : i32
        %sign3A_255 = arith.extui %sign3A_254 : i1 to i32
        %sign3A_256 = arith.constant 0 : i32
        %sign3A_257 = arith.cmpi slt, %add3A_54, %sign3A_256 : i32
        %sign3A_258 = arith.extui %sign3A_257 : i1 to i32
        %sign3A_259 = arith.subi %sign3A_255, %sign3A_258 : i32
        %sign3A_260 = arith.constant 0 : i32
        %sign3A_261 = arith.cmpi sgt, %jit3A_251, %sign3A_260 : i32
        %sign3A_262 = arith.extui %sign3A_261 : i1 to i32
        %sign3A_263 = arith.constant 0 : i32
        %sign3A_264 = arith.cmpi slt, %jit3A_251, %sign3A_263 : i32
        %sign3A_265 = arith.extui %sign3A_264 : i1 to i32
        %sign3A_266 = arith.subi %sign3A_262, %sign3A_265 : i32
        %ne3A_267 = arith.cmpi ne, %sign3A_259, %sign3A_266 : i32
        %rem3A_268 = arith.remsi %add3A_54, %jit3A_251 : i32
        %ne3A_269 = arith.constant 0 : i32
        %ne3A_270 = arith.cmpi ne, %rem3A_268, %ne3A_269 : i32
        %and3A_271 = arith.andi %ne3A_267, %ne3A_270 : i1
        %sub3A_272 = arith.constant 1 : i32
        %sub3A_273 = arith.subi %div3A_252, %sub3A_272 : i32
        %select_n3A_274 = arith.select %and3A_271, %sub3A_273, %div3A_252 : i32
        %jit3A_275 = arith.constant 2 : i32
        %eq3A_276 = arith.constant 0 : i32
        %eq3A_277 = arith.cmpi eq, %jit3A_275, %eq3A_276 : i32
        %jit3A_278 = arith.constant 1 : i32
        %select_n3A_279 = arith.select %eq3A_277, %jit3A_278, %jit3A_275 : i32
        %rem3A_280 = arith.remsi %select_n3A_274, %select_n3A_279 : i32
        %ne3A_281 = arith.constant 0 : i32
        %ne3A_282 = arith.cmpi ne, %rem3A_280, %ne3A_281 : i32
        %lt3A_283 = arith.constant 0 : i32
        %lt3A_284 = arith.cmpi slt, %rem3A_280, %lt3A_283 : i32
        %lt3A_285 = arith.constant 0 : i32
        %lt3A_286 = arith.cmpi slt, %select_n3A_279, %lt3A_285 : i32
        %ne3A_287 = arith.xori %lt3A_284, %lt3A_286 : i1
        %and3A_288 = arith.andi %ne3A_287, %ne3A_282 : i1
        %add3A_289 = arith.addi %rem3A_280, %select_n3A_279 : i32
        %select_n3A_290 = arith.select %and3A_288, %add3A_289, %rem3A_280 : i32
        %eq3A_291 = arith.constant 0 : i32
        %eq3A_292 = arith.cmpi eq, %select_n3A_290, %eq3A_291 : i32
        %convert_element_type3A_293 = arith.extui %eq3A_292 : i1 to i32
        %cond3A_294 = arith.constant 0 : i32
        %cond3A_295 = arith.cmpi ne, %convert_element_type3A_293, %cond3A_294 : i32
        scf.if %cond3A_295 {
          %parallel_loop3A = arith.constant 0 : i32
          %parallel_loop3A_341 = arith.constant 256 : i32
          %parallel_loop3A_342 = arith.constant 1 : i32
          scf.for %parallel_loop3A_364 = %parallel_loop3A to %parallel_loop3A_341 step %parallel_loop3A_342  : i32 {
            %parallel_loop3A_365 = arith.index_cast %parallel_loop3A_364 : i32 to index
            %parallel_loop3A_366 = arith.constant 0 : index
            %parallel_loop3A_367 = tpu.vector_load %arg8[%parallel_loop3A_365, %parallel_loop3A_366] {strides = array<i32>} : memref<256x64xf32, #tpu.memory_space<vmem>>, vector<1x16xf32>,
            %parallel_loop3A_368 = vector.shape_cast %parallel_loop3A_367 : vector<1x16xf32> to vector<16xf32>
            %parallel_loop3A_369 = arith.constant 8.000000e+00 : f32
            %parallel_loop3A_370 = vector.broadcast %parallel_loop3A_369 : f32 to vector<16xf32>
            %parallel_loop3A_371 = arith.mulf %parallel_loop3A_368, %parallel_loop3A_370 : vector<16xf32>
            %parallel_loop3A_372 = arith.addf %parallel_loop3A_371, %get3A_6 : vector<16xf32>
            %parallel_loop3A_373 = arith.constant 256 : i32
            %parallel_loop3A_374 = arith.addi %parallel_loop3A_373, %parallel_loop3A_364 : i32
            %parallel_loop3A_375 = arith.index_cast %parallel_loop3A_374 : i32 to index
            %parallel_loop3A_376 = arith.constant 0 : index
            %parallel_loop3A_377 = tpu.vector_load %arg9[%parallel_loop3A_375, %parallel_loop3A_376] {strides = array<i32>} : memref<512x64xf32, #tpu.memory_space<vmem>>, vector<1x16xf32>,
            %parallel_loop3A_378 = vector.shape_cast %parallel_loop3A_377 : vector<1x16xf32> to vector<16xf32>
            %parallel_loop3A_379 = vector.shape_cast %parallel_loop3A_372 : vector<16xf32> to vector<1x16xf32>
            tpu.vector_store %arg9[%parallel_loop3A_375, %parallel_loop3A_376], %parallel_loop3A_379 {strides = array<i32>} : memref<512x64xf32, #tpu.memory_space<vmem>>, vector<1x16xf32>,
            %parallel_loop3A_380 = arith.index_cast %parallel_loop3A_364 : i32 to index
            %parallel_loop3A_381 = arith.constant 16 : index
            %parallel_loop3A_382 = tpu.vector_load %arg8[%parallel_loop3A_380, %parallel_loop3A_381] {strides = array<i32>} : memref<256x64xf32, #tpu.memory_space<vmem>>, vector<1x16xf32>,
            %parallel_loop3A_383 = vector.shape_cast %parallel_loop3A_382 : vector<1x16xf32> to vector<16xf32>
            %parallel_loop3A_384 = arith.constant 8.000000e+00 : f32
            %parallel_loop3A_385 = vector.broadcast %parallel_loop3A_384 : f32 to vector<16xf32>
            %parallel_loop3A_386 = arith.mulf %parallel_loop3A_383, %parallel_loop3A_385 : vector<16xf32>
            %parallel_loop3A_387 = arith.addf %parallel_loop3A_386, %get3A_9 : vector<16xf32>
            %parallel_loop3A_388 = arith.constant 256 : i32
            %parallel_loop3A_389 = arith.addi %parallel_loop3A_388, %parallel_loop3A_364 : i32
            %parallel_loop3A_390 = arith.index_cast %parallel_loop3A_389 : i32 to index
            %parallel_loop3A_391 = arith.constant 16 : index
            %parallel_loop3A_392 = tpu.vector_load %arg9[%parallel_loop3A_390, %parallel_loop3A_391] {strides = array<i32>} : memref<512x64xf32, #tpu.memory_space<vmem>>, vector<1x16xf32>,
            %parallel_loop3A_393 = vector.shape_cast %parallel_loop3A_392 : vector<1x16xf32> to vector<16xf32>
            %parallel_loop3A_394 = vector.shape_cast %parallel_loop3A_387 : vector<16xf32> to vector<1x16xf32>
            tpu.vector_store %arg9[%parallel_loop3A_390, %parallel_loop3A_391], %parallel_loop3A_394 {strides = array<i32>} : memref<512x64xf32, #tpu.memory_space<vmem>>, vector<1x16xf32>,
            %parallel_loop3A_395 = arith.index_cast %parallel_loop3A_364 : i32 to index
            %parallel_loop3A_396 = arith.constant 32 : index
            %parallel_loop3A_397 = tpu.vector_load %arg8[%parallel_loop3A_395, %parallel_loop3A_396] {strides = array<i32>} : memref<256x64xf32, #tpu.memory_space<vmem>>, vector<1x16xf32>,
            %parallel_loop3A_398 = vector.shape_cast %parallel_loop3A_397 : vector<1x16xf32> to vector<16xf32>
            %parallel_loop3A_399 = arith.constant 8.000000e+00 : f32
            %parallel_loop3A_400 = vector.broadcast %parallel_loop3A_399 : f32 to vector<16xf32>
            %parallel_loop3A_401 = arith.mulf %parallel_loop3A_398, %parallel_loop3A_400 : vector<16xf32>
            %parallel_loop3A_402 = arith.addf %parallel_loop3A_401, %get3A_12 : vector<16xf32>
            %parallel_loop3A_403 = arith.constant 256 : i32
            %parallel_loop3A_404 = arith.addi %parallel_loop3A_403, %parallel_loop3A_364 : i32
            %parallel_loop3A_405 = arith.index_cast %parallel_loop3A_404 : i32 to index
            %parallel_loop3A_406 = arith.constant 32 : index
            %parallel_loop3A_407 = tpu.vector_load %arg9[%parallel_loop3A_405, %parallel_loop3A_406] {strides = array<i32>} : memref<512x64xf32, #tpu.memory_space<vmem>>, vector<1x16xf32>,
            %parallel_loop3A_408 = vector.shape_cast %parallel_loop3A_407 : vector<1x16xf32> to vector<16xf32>
            %parallel_loop3A_409 = vector.shape_cast %parallel_loop3A_402 : vector<16xf32> to vector<1x16xf32>
            tpu.vector_store %arg9[%parallel_loop3A_405, %parallel_loop3A_406], %parallel_loop3A_409 {strides = array<i32>} : memref<512x64xf32, #tpu.memory_space<vmem>>, vector<1x16xf32>,
            %parallel_loop3A_410 = arith.index_cast %parallel_loop3A_364 : i32 to index
            %parallel_loop3A_411 = arith.constant 48 : index
            %parallel_loop3A_412 = tpu.vector_load %arg8[%parallel_loop3A_410, %parallel_loop3A_411] {strides = array<i32>} : memref<256x64xf32, #tpu.memory_space<vmem>>, vector<1x16xf32>,
            %parallel_loop3A_413 = vector.shape_cast %parallel_loop3A_412 : vector<1x16xf32> to vector<16xf32>
            %parallel_loop3A_414 = arith.constant 8.000000e+00 : f32
            %parallel_loop3A_415 = vector.broadcast %parallel_loop3A_414 : f32 to vector<16xf32>
            %parallel_loop3A_416 = arith.mulf %parallel_loop3A_413, %parallel_loop3A_415 : vector<16xf32>
            %parallel_loop3A_417 = arith.addf %parallel_loop3A_416, %get3A_15 : vector<16xf32>
            %parallel_loop3A_418 = arith.constant 256 : i32
            %parallel_loop3A_419 = arith.addi %parallel_loop3A_418, %parallel_loop3A_364 : i32
            %parallel_loop3A_420 = arith.index_cast %parallel_loop3A_419 : i32 to index
            %parallel_loop3A_421 = arith.constant 48 : index
            %parallel_loop3A_422 = tpu.vector_load %arg9[%parallel_loop3A_420, %parallel_loop3A_421] {strides = array<i32>} : memref<512x64xf32, #tpu.memory_space<vmem>>, vector<1x16xf32>,
            %parallel_loop3A_423 = vector.shape_cast %parallel_loop3A_422 : vector<1x16xf32> to vector<16xf32>
            %parallel_loop3A_424 = vector.shape_cast %parallel_loop3A_417 : vector<16xf32> to vector<1x16xf32>
            tpu.vector_store %arg9[%parallel_loop3A_420, %parallel_loop3A_421], %parallel_loop3A_424 {strides = array<i32>} : memref<512x64xf32, #tpu.memory_space<vmem>>, vector<1x16xf32>,
          } {sc.loop_unroll_factor = 4 : i64, sc.parallel_access}
          %jit3A_343 = arith.constant 2 : i32
          %eq3A_344 = arith.constant 0 : i32
          %eq3A_345 = arith.cmpi eq, %jit3A_343, %eq3A_344 : i32
          %jit3A_346 = arith.constant 1 : i32
          %select_n3A_347 = arith.select %eq3A_345, %jit3A_346, %jit3A_343 : i32
          %rem3A_348 = arith.remsi %add3A_54, %select_n3A_347 : i32
          %ne3A_349 = arith.constant 0 : i32
          %ne3A_350 = arith.cmpi ne, %rem3A_348, %ne3A_349 : i32
          %lt3A_351 = arith.constant 0 : i32
          %lt3A_352 = arith.cmpi slt, %rem3A_348, %lt3A_351 : i32
          %lt3A_353 = arith.constant 0 : i32
          %lt3A_354 = arith.cmpi slt, %select_n3A_347, %lt3A_353 : i32
          %ne3A_355 = arith.xori %lt3A_352, %lt3A_354 : i1
          %and3A_356 = arith.andi %ne3A_355, %ne3A_350 : i1
          %add3A_357 = arith.addi %rem3A_348, %select_n3A_347 : i32
          %select_n3A_358 = arith.select %and3A_356, %add3A_357, %rem3A_348 : i32
          %eq3A_359 = arith.constant 1 : i32
          %eq3A_360 = arith.cmpi eq, %select_n3A_358, %eq3A_359 : i32
          %convert_element_type3A_361 = arith.extui %eq3A_360 : i1 to i32
          %cond3A_362 = arith.constant 0 : i32
          %cond3A_363 = arith.cmpi ne, %convert_element_type3A_361, %cond3A_362 : i32
          scf.if %cond3A_363 {
            %jit3A_364 = arith.constant 2 : i32
            %div3A_365 = arith.divsi %add3A_54, %jit3A_364 : i32
            %sign3A_366 = arith.constant 0 : i32
            %sign3A_367 = arith.cmpi sgt, %add3A_54, %sign3A_366 : i32
            %sign3A_368 = arith.extui %sign3A_367 : i1 to i32
            %sign3A_369 = arith.constant 0 : i32
            %sign3A_370 = arith.cmpi slt, %add3A_54, %sign3A_369 : i32
            %sign3A_371 = arith.extui %sign3A_370 : i1 to i32
            %sign3A_372 = arith.subi %sign3A_368, %sign3A_371 : i32
            %sign3A_373 = arith.constant 0 : i32
            %sign3A_374 = arith.cmpi sgt, %jit3A_364, %sign3A_373 : i32
            %sign3A_375 = arith.extui %sign3A_374 : i1 to i32
            %sign3A_376 = arith.constant 0 : i32
            %sign3A_377 = arith.cmpi slt, %jit3A_364, %sign3A_376 : i32
            %sign3A_378 = arith.extui %sign3A_377 : i1 to i32
            %sign3A_379 = arith.subi %sign3A_375, %sign3A_378 : i32
            %ne3A_380 = arith.cmpi ne, %sign3A_372, %sign3A_379 : i32
            %rem3A_381 = arith.remsi %add3A_54, %jit3A_364 : i32
            %ne3A_382 = arith.constant 0 : i32
            %ne3A_383 = arith.cmpi ne, %rem3A_381, %ne3A_382 : i32
            %and3A_384 = arith.andi %ne3A_380, %ne3A_383 : i1
            %sub3A_385 = arith.constant 1 : i32
            %sub3A_386 = arith.subi %div3A_365, %sub3A_385 : i32
            %select_n3A_387 = arith.select %and3A_384, %sub3A_386, %div3A_365 : i32
            %mul3A_388 = arith.constant 2 : i32
            %mul3A_389 = arith.muli %select_n3A_387, %mul3A_388 : i32
            %mul3A_390 = arith.constant 256 : i32
            %mul3A_391 = arith.muli %mul3A_389, %mul3A_390 : i32
            %add3A_392 = arith.addi %mul3A_4, %mul3A_391 : i32
            %dma_start3A_393 = arith.constant 0 : i32
            %dma_start3A_394 = tpu.memref_slice %arg5[%add3A_392, %dma_start3A_393] : memref<819200x64xf32, #tpu.memory_space<hbm>> -> memref<512x64xf32, #tpu.memory_space<hbm>>
            %dma_start3A_395 = arith.constant 0 : i32
            %dma_start3A_396 = tpu.memref_slice %arg5[%add3A_392, %dma_start3A_395] : memref<819200x64xf32, #tpu.memory_space<hbm>> -> memref<512x64xf32, #tpu.memory_space<hbm>>
            tpu.enqueue_dma source(%arg9 : memref<512x64xf32, #tpu.memory_space<vmem>>) target(%dma_start3A_396 : memref<512x64xf32, #tpu.memory_space<hbm>>) target_semaphore(%arg14 : memref<!tpu.dma_semaphore, #tpu.memory_space<semaphore_mem>>)
          } else {
          }
        } else {
        }
        %jit3A_296 = arith.constant 2 : i32
        %div3A_297 = arith.divsi %add3A_54, %jit3A_296 : i32
        %sign3A_298 = arith.constant 0 : i32
        %sign3A_299 = arith.cmpi sgt, %add3A_54, %sign3A_298 : i32
        %sign3A_300 = arith.extui %sign3A_299 : i1 to i32
        %sign3A_301 = arith.constant 0 : i32
        %sign3A_302 = arith.cmpi slt, %add3A_54, %sign3A_301 : i32
        %sign3A_303 = arith.extui %sign3A_302 : i1 to i32
        %sign3A_304 = arith.subi %sign3A_300, %sign3A_303 : i32
        %sign3A_305 = arith.constant 0 : i32
        %sign3A_306 = arith.cmpi sgt, %jit3A_296, %sign3A_305 : i32
        %sign3A_307 = arith.extui %sign3A_306 : i1 to i32
        %sign3A_308 = arith.constant 0 : i32
        %sign3A_309 = arith.cmpi slt, %jit3A_296, %sign3A_308 : i32
        %sign3A_310 = arith.extui %sign3A_309 : i1 to i32
        %sign3A_311 = arith.subi %sign3A_307, %sign3A_310 : i32
        %ne3A_312 = arith.cmpi ne, %sign3A_304, %sign3A_311 : i32
        %rem3A_313 = arith.remsi %add3A_54, %jit3A_296 : i32
        %ne3A_314 = arith.constant 0 : i32
        %ne3A_315 = arith.cmpi ne, %rem3A_313, %ne3A_314 : i32
        %and3A_316 = arith.andi %ne3A_312, %ne3A_315 : i1
        %sub3A_317 = arith.constant 1 : i32
        %sub3A_318 = arith.subi %div3A_297, %sub3A_317 : i32
        %select_n3A_319 = arith.select %and3A_316, %sub3A_318, %div3A_297 : i32
        %jit3A_320 = arith.constant 2 : i32
        %eq3A_321 = arith.constant 0 : i32
        %eq3A_322 = arith.cmpi eq, %jit3A_320, %eq3A_321 : i32
        %jit3A_323 = arith.constant 1 : i32
        %select_n3A_324 = arith.select %eq3A_322, %jit3A_323, %jit3A_320 : i32
        %rem3A_325 = arith.remsi %select_n3A_319, %select_n3A_324 : i32
        %ne3A_326 = arith.constant 0 : i32
        %ne3A_327 = arith.cmpi ne, %rem3A_325, %ne3A_326 : i32
        %lt3A_328 = arith.constant 0 : i32
        %lt3A_329 = arith.cmpi slt, %rem3A_325, %lt3A_328 : i32
        %lt3A_330 = arith.constant 0 : i32
        %lt3A_331 = arith.cmpi slt, %select_n3A_324, %lt3A_330 : i32
        %ne3A_332 = arith.xori %lt3A_329, %lt3A_331 : i1
        %and3A_333 = arith.andi %ne3A_332, %ne3A_327 : i1
        %add3A_334 = arith.addi %rem3A_325, %select_n3A_324 : i32
        %select_n3A_335 = arith.select %and3A_333, %add3A_334, %rem3A_325 : i32
        %eq3A_336 = arith.constant 1 : i32
        %eq3A_337 = arith.cmpi eq, %select_n3A_335, %eq3A_336 : i32
        %convert_element_type3A_338 = arith.extui %eq3A_337 : i1 to i32
        %cond3A_339 = arith.constant 0 : i32
        %cond3A_340 = arith.cmpi ne, %convert_element_type3A_338, %cond3A_339 : i32
        scf.if %cond3A_340 {
          %parallel_loop3A = arith.constant 0 : i32
          %parallel_loop3A_341 = arith.constant 256 : i32
          %parallel_loop3A_342 = arith.constant 1 : i32
          scf.for %parallel_loop3A_364 = %parallel_loop3A to %parallel_loop3A_341 step %parallel_loop3A_342  : i32 {
            %parallel_loop3A_365 = arith.index_cast %parallel_loop3A_364 : i32 to index
            %parallel_loop3A_366 = arith.constant 0 : index
            %parallel_loop3A_367 = tpu.vector_load %arg8[%parallel_loop3A_365, %parallel_loop3A_366] {strides = array<i32>} : memref<256x64xf32, #tpu.memory_space<vmem>>, vector<1x16xf32>,
            %parallel_loop3A_368 = vector.shape_cast %parallel_loop3A_367 : vector<1x16xf32> to vector<16xf32>
            %parallel_loop3A_369 = arith.constant 8.000000e+00 : f32
            %parallel_loop3A_370 = vector.broadcast %parallel_loop3A_369 : f32 to vector<16xf32>
            %parallel_loop3A_371 = arith.mulf %parallel_loop3A_368, %parallel_loop3A_370 : vector<16xf32>
            %parallel_loop3A_372 = arith.addf %parallel_loop3A_371, %get3A_6 : vector<16xf32>
            %parallel_loop3A_373 = arith.constant 256 : i32
            %parallel_loop3A_374 = arith.addi %parallel_loop3A_373, %parallel_loop3A_364 : i32
            %parallel_loop3A_375 = arith.index_cast %parallel_loop3A_374 : i32 to index
            %parallel_loop3A_376 = arith.constant 0 : index
            %parallel_loop3A_377 = tpu.vector_load %arg10[%parallel_loop3A_375, %parallel_loop3A_376] {strides = array<i32>} : memref<512x64xf32, #tpu.memory_space<vmem>>, vector<1x16xf32>,
            %parallel_loop3A_378 = vector.shape_cast %parallel_loop3A_377 : vector<1x16xf32> to vector<16xf32>
            %parallel_loop3A_379 = vector.shape_cast %parallel_loop3A_372 : vector<16xf32> to vector<1x16xf32>
            tpu.vector_store %arg10[%parallel_loop3A_375, %parallel_loop3A_376], %parallel_loop3A_379 {strides = array<i32>} : memref<512x64xf32, #tpu.memory_space<vmem>>, vector<1x16xf32>,
            %parallel_loop3A_380 = arith.index_cast %parallel_loop3A_364 : i32 to index
            %parallel_loop3A_381 = arith.constant 16 : index
            %parallel_loop3A_382 = tpu.vector_load %arg8[%parallel_loop3A_380, %parallel_loop3A_381] {strides = array<i32>} : memref<256x64xf32, #tpu.memory_space<vmem>>, vector<1x16xf32>,
            %parallel_loop3A_383 = vector.shape_cast %parallel_loop3A_382 : vector<1x16xf32> to vector<16xf32>
            %parallel_loop3A_384 = arith.constant 8.000000e+00 : f32
            %parallel_loop3A_385 = vector.broadcast %parallel_loop3A_384 : f32 to vector<16xf32>
            %parallel_loop3A_386 = arith.mulf %parallel_loop3A_383, %parallel_loop3A_385 : vector<16xf32>
            %parallel_loop3A_387 = arith.addf %parallel_loop3A_386, %get3A_9 : vector<16xf32>
            %parallel_loop3A_388 = arith.constant 256 : i32
            %parallel_loop3A_389 = arith.addi %parallel_loop3A_388, %parallel_loop3A_364 : i32
            %parallel_loop3A_390 = arith.index_cast %parallel_loop3A_389 : i32 to index
            %parallel_loop3A_391 = arith.constant 16 : index
            %parallel_loop3A_392 = tpu.vector_load %arg10[%parallel_loop3A_390, %parallel_loop3A_391] {strides = array<i32>} : memref<512x64xf32, #tpu.memory_space<vmem>>, vector<1x16xf32>,
            %parallel_loop3A_393 = vector.shape_cast %parallel_loop3A_392 : vector<1x16xf32> to vector<16xf32>
            %parallel_loop3A_394 = vector.shape_cast %parallel_loop3A_387 : vector<16xf32> to vector<1x16xf32>
            tpu.vector_store %arg10[%parallel_loop3A_390, %parallel_loop3A_391], %parallel_loop3A_394 {strides = array<i32>} : memref<512x64xf32, #tpu.memory_space<vmem>>, vector<1x16xf32>,
            %parallel_loop3A_395 = arith.index_cast %parallel_loop3A_364 : i32 to index
            %parallel_loop3A_396 = arith.constant 32 : index
            %parallel_loop3A_397 = tpu.vector_load %arg8[%parallel_loop3A_395, %parallel_loop3A_396] {strides = array<i32>} : memref<256x64xf32, #tpu.memory_space<vmem>>, vector<1x16xf32>,
            %parallel_loop3A_398 = vector.shape_cast %parallel_loop3A_397 : vector<1x16xf32> to vector<16xf32>
            %parallel_loop3A_399 = arith.constant 8.000000e+00 : f32
            %parallel_loop3A_400 = vector.broadcast %parallel_loop3A_399 : f32 to vector<16xf32>
            %parallel_loop3A_401 = arith.mulf %parallel_loop3A_398, %parallel_loop3A_400 : vector<16xf32>
            %parallel_loop3A_402 = arith.addf %parallel_loop3A_401, %get3A_12 : vector<16xf32>
            %parallel_loop3A_403 = arith.constant 256 : i32
            %parallel_loop3A_404 = arith.addi %parallel_loop3A_403, %parallel_loop3A_364 : i32
            %parallel_loop3A_405 = arith.index_cast %parallel_loop3A_404 : i32 to index
            %parallel_loop3A_406 = arith.constant 32 : index
            %parallel_loop3A_407 = tpu.vector_load %arg10[%parallel_loop3A_405, %parallel_loop3A_406] {strides = array<i32>} : memref<512x64xf32, #tpu.memory_space<vmem>>, vector<1x16xf32>,
            %parallel_loop3A_408 = vector.shape_cast %parallel_loop3A_407 : vector<1x16xf32> to vector<16xf32>
            %parallel_loop3A_409 = vector.shape_cast %parallel_loop3A_402 : vector<16xf32> to vector<1x16xf32>
            tpu.vector_store %arg10[%parallel_loop3A_405, %parallel_loop3A_406], %parallel_loop3A_409 {strides = array<i32>} : memref<512x64xf32, #tpu.memory_space<vmem>>, vector<1x16xf32>,
            %parallel_loop3A_410 = arith.index_cast %parallel_loop3A_364 : i32 to index
            %parallel_loop3A_411 = arith.constant 48 : index
            %parallel_loop3A_412 = tpu.vector_load %arg8[%parallel_loop3A_410, %parallel_loop3A_411] {strides = array<i32>} : memref<256x64xf32, #tpu.memory_space<vmem>>, vector<1x16xf32>,
            %parallel_loop3A_413 = vector.shape_cast %parallel_loop3A_412 : vector<1x16xf32> to vector<16xf32>
            %parallel_loop3A_414 = arith.constant 8.000000e+00 : f32
            %parallel_loop3A_415 = vector.broadcast %parallel_loop3A_414 : f32 to vector<16xf32>
            %parallel_loop3A_416 = arith.mulf %parallel_loop3A_413, %parallel_loop3A_415 : vector<16xf32>
            %parallel_loop3A_417 = arith.addf %parallel_loop3A_416, %get3A_15 : vector<16xf32>
            %parallel_loop3A_418 = arith.constant 256 : i32
            %parallel_loop3A_419 = arith.addi %parallel_loop3A_418, %parallel_loop3A_364 : i32
            %parallel_loop3A_420 = arith.index_cast %parallel_loop3A_419 : i32 to index
            %parallel_loop3A_421 = arith.constant 48 : index
            %parallel_loop3A_422 = tpu.vector_load %arg10[%parallel_loop3A_420, %parallel_loop3A_421] {strides = array<i32>} : memref<512x64xf32, #tpu.memory_space<vmem>>, vector<1x16xf32>,
            %parallel_loop3A_423 = vector.shape_cast %parallel_loop3A_422 : vector<1x16xf32> to vector<16xf32>
            %parallel_loop3A_424 = vector.shape_cast %parallel_loop3A_417 : vector<16xf32> to vector<1x16xf32>
            tpu.vector_store %arg10[%parallel_loop3A_420, %parallel_loop3A_421], %parallel_loop3A_424 {strides = array<i32>} : memref<512x64xf32, #tpu.memory_space<vmem>>, vector<1x16xf32>,
          } {sc.loop_unroll_factor = 4 : i64, sc.parallel_access}
          %jit3A_343 = arith.constant 2 : i32
          %eq3A_344 = arith.constant 0 : i32
          %eq3A_345 = arith.cmpi eq, %jit3A_343, %eq3A_344 : i32
          %jit3A_346 = arith.constant 1 : i32
          %select_n3A_347 = arith.select %eq3A_345, %jit3A_346, %jit3A_343 : i32
          %rem3A_348 = arith.remsi %add3A_54, %select_n3A_347 : i32
          %ne3A_349 = arith.constant 0 : i32
          %ne3A_350 = arith.cmpi ne, %rem3A_348, %ne3A_349 : i32
          %lt3A_351 = arith.constant 0 : i32
          %lt3A_352 = arith.cmpi slt, %rem3A_348, %lt3A_351 : i32
          %lt3A_353 = arith.constant 0 : i32
          %lt3A_354 = arith.cmpi slt, %select_n3A_347, %lt3A_353 : i32
          %ne3A_355 = arith.xori %lt3A_352, %lt3A_354 : i1
          %and3A_356 = arith.andi %ne3A_355, %ne3A_350 : i1
          %add3A_357 = arith.addi %rem3A_348, %select_n3A_347 : i32
          %select_n3A_358 = arith.select %and3A_356, %add3A_357, %rem3A_348 : i32
          %eq3A_359 = arith.constant 1 : i32
          %eq3A_360 = arith.cmpi eq, %select_n3A_358, %eq3A_359 : i32
          %convert_element_type3A_361 = arith.extui %eq3A_360 : i1 to i32
          %cond3A_362 = arith.constant 0 : i32
          %cond3A_363 = arith.cmpi ne, %convert_element_type3A_361, %cond3A_362 : i32
          scf.if %cond3A_363 {
            %jit3A_364 = arith.constant 2 : i32
            %div3A_365 = arith.divsi %add3A_54, %jit3A_364 : i32
            %sign3A_366 = arith.constant 0 : i32
            %sign3A_367 = arith.cmpi sgt, %add3A_54, %sign3A_366 : i32
            %sign3A_368 = arith.extui %sign3A_367 : i1 to i32
            %sign3A_369 = arith.constant 0 : i32
            %sign3A_370 = arith.cmpi slt, %add3A_54, %sign3A_369 : i32
            %sign3A_371 = arith.extui %sign3A_370 : i1 to i32
            %sign3A_372 = arith.subi %sign3A_368, %sign3A_371 : i32
            %sign3A_373 = arith.constant 0 : i32
            %sign3A_374 = arith.cmpi sgt, %jit3A_364, %sign3A_373 : i32
            %sign3A_375 = arith.extui %sign3A_374 : i1 to i32
            %sign3A_376 = arith.constant 0 : i32
            %sign3A_377 = arith.cmpi slt, %jit3A_364, %sign3A_376 : i32
            %sign3A_378 = arith.extui %sign3A_377 : i1 to i32
            %sign3A_379 = arith.subi %sign3A_375, %sign3A_378 : i32
            %ne3A_380 = arith.cmpi ne, %sign3A_372, %sign3A_379 : i32
            %rem3A_381 = arith.remsi %add3A_54, %jit3A_364 : i32
            %ne3A_382 = arith.constant 0 : i32
            %ne3A_383 = arith.cmpi ne, %rem3A_381, %ne3A_382 : i32
            %and3A_384 = arith.andi %ne3A_380, %ne3A_383 : i1
            %sub3A_385 = arith.constant 1 : i32
            %sub3A_386 = arith.subi %div3A_365, %sub3A_385 : i32
            %select_n3A_387 = arith.select %and3A_384, %sub3A_386, %div3A_365 : i32
            %mul3A_388 = arith.constant 2 : i32
            %mul3A_389 = arith.muli %select_n3A_387, %mul3A_388 : i32
            %mul3A_390 = arith.constant 256 : i32
            %mul3A_391 = arith.muli %mul3A_389, %mul3A_390 : i32
            %add3A_392 = arith.addi %mul3A_4, %mul3A_391 : i32
            %dma_start3A_393 = arith.constant 0 : i32
            %dma_start3A_394 = tpu.memref_slice %arg5[%add3A_392, %dma_start3A_393] : memref<819200x64xf32, #tpu.memory_space<hbm>> -> memref<512x64xf32, #tpu.memory_space<hbm>>
            %dma_start3A_395 = arith.constant 0 : i32
            %dma_start3A_396 = tpu.memref_slice %arg5[%add3A_392, %dma_start3A_395] : memref<819200x64xf32, #tpu.memory_space<hbm>> -> memref<512x64xf32, #tpu.memory_space<hbm>>
            tpu.enqueue_dma source(%arg10 : memref<512x64xf32, #tpu.memory_space<vmem>>) target(%dma_start3A_396 : memref<512x64xf32, #tpu.memory_space<hbm>>) target_semaphore(%arg15 : memref<!tpu.dma_semaphore, #tpu.memory_space<semaphore_mem>>)
          } else {
          }
        } else {
        }
      } else {
      }
    }
    %scan3A_38 = arith.constant 100 : i32
    %add3A_39 = arith.constant 24576 : i32
    %add3A_40 = arith.addi %mul3A_4, %add3A_39 : i32
    %dma_wait3A = arith.constant 0 : i32
    %dma_wait3A_41 = tpu.memref_slice %arg5[%add3A_40, %dma_wait3A] : memref<819200x64xf32, #tpu.memory_space<hbm>> -> memref<512x64xf32, #tpu.memory_space<hbm>>
    %dma_wait3A_42 = arith.constant 0 : i32
    %dma_wait3A_43 = tpu.memref_slice %arg5[%add3A_40, %dma_wait3A_42] : memref<819200x64xf32, #tpu.memory_space<hbm>> -> memref<512x64xf32, #tpu.memory_space<hbm>>
    tpu.wait_dma2 semaphore(%arg14 : memref<!tpu.dma_semaphore, #tpu.memory_space<semaphore_mem>>) src(%arg9 : memref<512x64xf32, #tpu.memory_space<vmem>>) dst(%dma_wait3A_43 : memref<512x64xf32, #tpu.memory_space<hbm>>)
    %add3A_44 = arith.constant 25088 : i32
    %add3A_45 = arith.addi %mul3A_4, %add3A_44 : i32
    %dma_wait3A_46 = arith.constant 0 : i32
    %dma_wait3A_47 = tpu.memref_slice %arg5[%add3A_45, %dma_wait3A_46] : memref<819200x64xf32, #tpu.memory_space<hbm>> -> memref<512x64xf32, #tpu.memory_space<hbm>>
    %dma_wait3A_48 = arith.constant 0 : i32
    %dma_wait3A_49 = tpu.memref_slice %arg5[%add3A_45, %dma_wait3A_48] : memref<819200x64xf32, #tpu.memory_space<hbm>> -> memref<512x64xf32, #tpu.memory_space<hbm>>
    tpu.wait_dma2 semaphore(%arg15 : memref<!tpu.dma_semaphore, #tpu.memory_space<semaphore_mem>>) src(%arg10 : memref<512x64xf32, #tpu.memory_space<vmem>>) dst(%dma_wait3A_49 : memref<512x64xf32, #tpu.memory_space<hbm>>)
    return
  }
}

</mosaic_0001>

<sc_bundles>
// kernel: kernel.3.cloned.1.call-start
scs
__scs_entry_jumppad:
0x0: {  	(pc) =	sbr.rel $0x88, $3  }
0x1: {  	(tag) =	ssettag $0x0;
	lr =	simm.s32 $0x1  }
0x2: {  	[smem:$0x3F9E] =	sst lr;
	_ =	strace $0xD0000000  }
0x3: {  	_ = 	snop  }
0x4: {  	_ = 	snop  }
0x5: {  	_ = 	snop  }
0x6: {  	_ = 	snop  }
0x7: {  	_ = 	snop  }
__scs_overlays_trampoline_lowered:
0x8: {  	[smem:$0x3FAD] =	sst s0  }
0x9: {  	[smem:$0x3FAE] =	sst s1  }
0xa: {  	[smem:$0x3FAF] =	sst s2  }
0xb: {  	[smem:$0x3FB0] =	sst s3  }
0xc: {  	[smem:$0x3FB1] =	sst s4  }
0xd: {  	[smem:$0x3FB2] =	sst s5  }
0xe: {  	[smem:$0x3FB3] =	sst s6  }
0xf: {  	[smem:$0x3FB4] =	sst s7  }
0x10: {  	[smem:$0x3FB5] =	sst s8  }
0x11: {  	[smem:$0x3FB6] =	sst s9;
	s0 =	simm.s32 @!p0 $0x0  }
0x12: {  	s1 =	sld [smem:$0x3F9C];
	s0 =	simm.s32 @p0 $0x1  }
0x13: {  	[smem:$0x3FB7] =	sst s0;
	s0 =	simm.s32 @!p1 $0x0  }
0x14: {  	s2 =	sld [smem:$0x3F9B];
	s0 =	simm.s32 @p1 $0x1  }
0x15: {  	[smem:$0x3FB8] =	sst s0;
	s0 =	simm.s32 @!p2 $0x0  }
0x16: {  	s3 =	sld [smem:$0x3FDB];
	s0 =	simm.s32 @p2 $0x1  }
0x17: {  	s4 =	simm.s32 $0x1BF5;
	[smem:$0x3FBA] =	sst s0  }
0x18: {  	s0 =	sld [smem:$0x3F9D];
	_ =	swait.ge [sflag:s4], $0x0  }
0x19: {  	s7 =	sld [smem:$0x3F9E]  }
0x1a: {  	s8 =	sadd.s32 $0xFFFFE003, lr  }
0x1b: {  	s9 =	sadd.s32 $0xFFFFFEF7, lr;
	s5 =	simm.s32 $0xFFFFFFFF;
	p2 =	slt.u32 s8, $0xFFFFF086  }
0x1c: {  	p1 =	slt.u32 s9, $0xF7A;
	s5 =	simm.s32 @!p2 $0x0  }
0x1d: {  	s5 =	simm.s32 @p1 $0x1;
	p0 =	seq.s32 s7, s2  }
0x1e: {  	s7 =	smul.u32 @!p0 $0xF7A, s2;
	p2 =	seq.s32 @!p0 s5, $0x0  }
0x1f: {  	s9 =	smul.u32 $0xF7A, s1;
	s8 =	simm.s32 @!p0 $0x1BF5;
	p2 =	por !p2, p0  }
0x20: {  	[sflag:s8] =	ssyncset.s32 @!p0 $0xFFFFF086;
	s6 =	sadd.s32 @!p0 s3, s7;
	s7 =	simm.s32 @!p0 $0x108  }
0x21: {  	s3 =	sadd.s32 s3, s9;
	s6 =	sadd.s32 @!p0 $0x88, s6;
	s7 =	simm.s32 @p2 $0x1082  }
0x22: {  	[simem:s7], [sflag:s8] =	dma.local @!p0 [hbm:s6], $0xF7A  }
0x23: {  	s9 =	sor.u32 $0xD0000000, s2;
	s6 =	simm.s32 $0x108;
	_ =	swait.ge @!p0 [sflag:s8], $0x0  }
0x24: {  	s3 =	sadd.s32 $0x88, s3;
	s6 =	simm.s32 @!p1 $0x1082;
	[sflag:s4] =	ssyncset.s32 $0xFFFFF086  }
0x25: {  	[simem:s6], [sflag:s4] =	dma.local [hbm:s3], $0xF7A  }
0x26: {  	[smem:$0x3F9E] =	sst s1;
	(tag) =	ssettag s2;
	_ =	strace s9  }
0x27: {  	s1 =	sld [smem:$0x3FAE]  }
0x28: {  	s2 =	sld [smem:$0x3FAF]  }
0x29: {  	s4 =	sld [smem:$0x3FB1]  }
0x2a: {  	p0 =	seq.s32 s5, $0x0;
	s5 =	sld [smem:$0x3FB2]  }
0x2b: {  	s6 =	sld [smem:$0x3FB3]  }
0x2c: {  	s7 =	sld [smem:$0x3FB4]  }
0x2d: {  	s3 =	simm.s32 $0x108;
	s8 =	sld [smem:$0x3FB5]  }
0x2e: {  	s3 =	simm.s32 @!p0 $0x1082;
	s9 =	sld [smem:$0x3FB6]  }
0x2f: {  	lr =	sadd.s32 s0, s3;
	s0 =	sld [smem:$0x3FAD]  }
0x30: {  	s3 =	sld [smem:$0x3FB0]  }
0x31: {  	[smem:$0x3FB9] =	sst s10  }
0x32: {  	s10 =	sld [smem:$0x3FB7];
	_ =	sdelay $0x3  }
0x33: {  	p0 =	seq.s32 s10, $0x1;
	s10 =	sld [smem:$0x3FB9];
	_ =	sdelay $0x3  }
0x34: {  	[smem:$0x3FB9] =	sst s10  }
0x35: {  	s10 =	sld [smem:$0x3FB8];
	_ =	sdelay $0x3  }
0x36: {  	p1 =	seq.s32 s10, $0x1;
	s10 =	sld [smem:$0x3FB9];
	_ =	sdelay $0x3  }
0x37: {  	[smem:$0x3FB9] =	sst s10  }
0x38: {  	s10 =	sld [smem:$0x3FBA]  }
0x39: {  	_ = 	snop;
	(pc) =	sbr.ind lr, $3  }
0x3a: {  	_ = 	snop  }
0x3b: {  	_ = 	snop  }
0x3c: {  	p2 =	seq.s32 s10, $0x1;
	s10 =	sld [smem:$0x3FB9]  }
0x3d: {  	_ =	shalt  }
0x3e: {  	_ =	shalt  }
0x3f: {  	_ =	shalt  }
0x40: {  	_ =	shalt  }
0x41: {  	_ =	shalt  }
0x42: {  	_ =	shalt  }
0x43: {  	_ =	shalt  }
0x44: {  	_ =	shalt  }
0x45: {  	_ =	shalt  }
0x46: {  	_ =	shalt  }
0x47: {  	_ =	shalt  }
0x48: {  	_ =	shalt  }
0x49: {  	_ =	shalt  }
0x4a: {  	_ =	shalt  }
0x4b: {  	_ =	shalt  }
0x4c: {  	_ =	shalt  }
0x4d: {  	_ =	shalt  }
0x4e: {  	_ =	shalt  }
0x4f: {  	_ =	shalt  }
0x50: {  	_ =	shalt  }
0x51: {  	_ =	shalt  }
0x52: {  	_ =	shalt  }
0x53: {  	_ =	shalt  }
0x54: {  	_ =	shalt  }
0x55: {  	_ =	shalt  }
0x56: {  	_ =	shalt  }
0x57: {  	_ =	shalt  }
0x58: {  	_ =	shalt  }
0x59: {  	_ =	shalt  }
0x5a: {  	_ =	shalt  }
0x5b: {  	_ =	shalt  }
0x5c: {  	_ =	shalt  }
0x5d: {  	_ =	shalt  }
0x5e: {  	_ =	shalt  }
0x5f: {  	_ =	shalt  }
0x60: {  	_ =	shalt  }
0x61: {  	_ =	shalt  }
0x62: {  	_ =	shalt  }
0x63: {  	_ =	shalt  }
0x64: {  	_ =	shalt  }
0x65: {  	_ =	shalt  }
0x66: {  	_ =	shalt  }
0x67: {  	_ =	shalt  }
0x68: {  	_ =	shalt  }
0x69: {  	_ =	shalt  }
0x6a: {  	_ =	shalt  }
0x6b: {  	_ =	shalt  }
0x6c: {  	_ =	shalt  }
0x6d: {  	_ =	shalt  }
0x6e: {  	_ =	shalt  }
0x6f: {  	_ =	shalt  }
0x70: {  	_ =	shalt  }
0x71: {  	_ =	shalt  }
0x72: {  	_ =	shalt  }
0x73: {  	_ =	shalt  }
0x74: {  	_ =	shalt  }
0x75: {  	_ =	shalt  }
0x76: {  	_ =	shalt  }
0x77: {  	_ =	shalt  }
0x78: {  	_ =	shalt  }
0x79: {  	_ =	shalt  }
0x7a: {  	_ =	shalt  }
0x7b: {  	_ =	shalt  }
0x7c: {  	_ =	shalt  }
0x7d: {  	_ =	shalt  }
0x7e: {  	_ =	shalt  }
0x7f: {  	_ =	shalt  }
0x80: {  	_ =	shalt  }
0x81: {  	_ =	shalt  }
0x82: {  	_ =	shalt  }
0x83: {  	_ =	shalt  }
0x84: {  	_ =	shalt  }
0x85: {  	_ =	shalt  }
0x86: {  	_ =	shalt  }
0x87: {  	_ =	shalt  }
.Lfunc_end0:
.L_simem_size_0:
called_computation.1_lowered:
.L_overlay_start_0:
0x88: {  	s2 =	sld [smem:$0x3FD9]  }
0x89: {  	s3 =	sld [smem:$0x3FFE];
	_ =	sdelay $0x1  }
0x8a: {  	s1 =	srdreg.scid  }
0x8b: {  	s0 =	sand.u32 $0x1, s1  }
0x8c: {  	s17 =	sshll.u32 s0, $0xA;
	s2 =	sadd.s32 s3, s2  }
0x8d: {  	s2 =	sadd.s32 s2, s17  }
0x8e: {  	[smem:$0x3FC5] =	sst s2  }
0x8f: {  	_ = 	snop  }
0x90: {  	s2 =	sld [smem:$0x3FC7]  }
0x91: {  	s18 =	sld [smem:$0x3FD0];
	(tm) =	ssettm $0x1  }
0x92: {  	s4 =	sld [smem:$0x3FFB];
	_ =	sdelay $0x3  }
0x93: {  	_ =	strace s4  }
0x94: {  	s4 =	sld [smem:$0x3FFC];
	_ =	sdelay $0x3  }
0x95: {  	_ =	strace s4  }
0x96: {  	s4 =	sld [smem:$0x3FFD];
	_ =	sdelay $0x3  }
0x97: {  	_ =	strace s4  }
0x98: {  	_ =	strace $0x8FFFFFFF  }
0x99: {  	s19 =	sld [smem:$0x3FDB];
	_ =	sdelay $0x1  }
0x9a: {  	s5 =	simm.s32 $_scs_section_size  }
0x9b: {  	s6 =	simm.s32 $_size__tile_overlayer_lowered;
	s7 =	simm.s32 $_tile_overlayer_lowered  }
0x9c: {  	s22 =	simm.s32 $0x1BFF;
	s21 =	sshll.u32 s7, $0x1;
	s4 =	sadd.s32 s5, s19  }
0x9d: {  	s8 =	simm.s32 $0x0;
	s20 =	sshll.u32 s6, $0x1;
	s6 =	sadd.s32 s21, s4  }
0x9e: {  	[timem:s8], [sflag:s22] =	dma.local [hbm:s6], s20  }
0x9f: {  	_ =	swait.ge [sflag:s22], s20  }
0xa0: {  	s5 =	ssub.s32 $0x0, s20;
	[sflag:s22] =	ssyncset.done $0x0  }
0xa1: {  	[sflag:s22] =	ssyncadd.s32 s5;
	_ =	sdelay $0x1  }
0xa2: {  	s23 =	simm.s32 $0x1B8B  }
0xa3: {  	_ =	swait.ge [sflag:s23], $0x1  }
0xa4: {  	[sflag:s23] =	ssyncset.done $0x0  }
0xa5: {  	s25 =	simm.s32 $0x1B8E;
	s24 =	sld [smem:$0x3FFE];
	[sflag:s23] =	ssyncadd.s32 $0xFFFFFFFF  }
0xa6: {  	s26 =	simm.s32 $execute0_lowered;
	[smem:$0x3FD2] =	sst s25  }
0xa7: {  	s6 =	sshll.u32 s26, $0x1;
	_ =	strace $0x80000046;
	[dreg:$0x1] =	wrdreg $0xFFFFFFFF  }
0xa8: {  	s28 =	simm.s32 $_size_execute0_lowered;
	s4 =	sadd.s32 s4, s6;
	[dreg:$0x0] =	wrdreg $0x0  }
0xa9: {  	s6 =	sshll.u32 s28, $0x1;
	[dreg:$0x2] =	wrdreg s4  }
0xaa: {  	[dreg:$0x3] =	wrdreg s6  }
0xab: {  	[dreg:$0x4] =	wrdreg $0xC0  }
0xac: {  	_ =	task [dreg:s8], $0x5FFFF  }
0xad: {  	[dreg:$0x1] =	wrdreg $0xFFFFFFFF  }
0xae: {  	[dreg:$0x0] =	wrdreg $0x60  }
0xaf: {  	[dreg:$0x2] =	wrdreg s24  }
0xb0: {  	[dreg:$0x3] =	wrdreg s2  }
0xb1: {  	[dreg:$0x4] =	wrdreg s18  }
0xb2: {  	[dreg:$0x5] =	wrdreg $0x9  }
0xb3: {  	_ =	task.clear_ibuf [dreg:s8], $0x6FFFF;
	_ =	strace $0x90000046  }
0xb4: {  	s29 =	simm.s32 $0x9;
	_ =	strace $0x80000048  }
0xb5: {  	_ =	swait.ge [sflag:s29], $0x1  }
0xb6: {  	[sflag:s29] =	ssyncadd.s32 $0xFFFFFFFF  }
0xb7: {  	_ =	strace $0x90000048  }
0xb8: {  	_ =	sfence  }
0xb9: {  	s30 =	sld [smem:$0x0];
	_ =	sdelay $0x2  }
0xba: {  	s31 =	sshll.u32 s1, $0xD;
	s1 =	sshrl.u32 s1, $0x2  }
0xbb: {  	s3 =	sand.u32 $0x4000, s31;
	s1 =	sadd.s32 s1, s30  }
0xbc: {  	s0 =	sor.u32 s3, s0;
	s1 =	sshll.u32 s1, $0x11  }
0xbd: {  	s0 =	sor.u32 s1, s0  }
0xbe: {  	s0 =	sadd.s32 $0x8F2B, s0  }
0xbf: {  	[sflag:s0] =	ssyncadd.remote.s32 $0x1  }
0xc0: {  	_ =	sfence.sel $0xFFFF  }
0xc1: {  	[dreg:$0x0] =	wrdreg $0xFFFFFFFF;
	(pc) =	sbr.abs _section_cstart, $3  }
0xc2: {  	[dreg:$0x1] =	wrdreg $0xFFFFFFFF  }
0xc3: {  	_ =	task.clear_ibuf [dreg:s8], $0x2FFFF;
	_ =	strace $0x9FFFFFFF  }
0xc4: {  	(tm) =	ssettm $0x7FFFFFFF  }
0xc5: {  	_ =	shalt  }
tec
execute0_lowered:
.L_overlay_start_1:
0x0: {  	(tag) =	ssettag $0x1  }
0x1: {  	s6 =	rddreg [dreg:$0x0]  }
0x2: {  	s2 =	rddreg [dreg:$0x1];
	s1 =	srdreg.scid  }
0x3: {  	s0 =	stileid.u32;
	s3 =	rddreg [dreg:$0x2];
	s4 =	simm.s32 $0x0  }
0x4: {  	s10 =	simm.s32 $0x1E400;
	s11 =	simm.s32 $0x80;
	s12 =	simm.s32 $0x6400  }
0x5: {  	s13 =	simm.s32 $0x8400;
	s14 =	simm.s32 $0xA400;
	s15 =	simm.s32 $0xC400  }
0x6: {  	s16 =	simm.s32 $0x1;
	s17 =	simm.s32 $0x3;
	s18 =	simm.s32 $0x4  }
0x7: {  	s19 =	simm.s32 $0x2;
	s20 =	simm.s32 $0xE400;
	s21 =	simm.s32 $0x16400  }
0x8: {  	s22 =	simm.s32 $0x0;
	s5 =	sand.u32 $0x1, s1;
	s7 =	sshll.u32 s0, $0x1  }
.Ltmp0:
0x9: {  	s1 =	rddreg [dreg:$0x3];
	s7 =	sor.u32 s5, s7;
	(pc) =	sbr.rel .LBB2_1-.Ltmp0, $4  }
0xa: {  	[smem:$0x7FF] =	sst s4;
	s9 =	ssub.s32 $0x2, s5;
	s8 =	smul.u32 $0xC80, s7  }
0xb: {  	_ =	strace $0x80000047;
	s5 =	sadd.s32 $0xF42E00, s6;
	s31 =	sshrl.u32 s9, $0x1  }
0xc: {  	s7 =	smul.u32 $0x190000, s7;
	s6 =	sadd.s32 s8, s6;
	s8 =	ssub.s32 s9, s31  }
0xd: {  	s9 =	simm.s32 $0x5;
	s6 =	sadd.s32 $0xA00, s6;
	s8 =	smax.u32 s8, $0x1  }
.LBB2_23:
0xe: {  	s22 =	sadd.s32 $0x1, s22  }
0xf: {  	_ =	swait.ge [sflag:s17], $0x8000;
	p0 =	sne.s32 s22, s8  }
.Ltmp1:
0x10: {  	[sflag:s17] =	ssyncset.done $0x0;
	(pc) =	sbr.rel @!p0 .LBB2_24-.Ltmp1, $4  }
0x11: {  	[sflag:s17] =	ssyncadd.s32 $0xFFFF8000  }
0x12: {  	_ =	swait.ge [sflag:s18], $0x8000  }
0x13: {  	[sflag:s18] =	ssyncset.done $0x0  }
0x14: {  	[sflag:s18] =	ssyncadd.s32 $0xFFFF8000  }
.LBB2_1:
0x15: {  	[tilespmem:s4], [sflag:$0x5] =	stream.linear.gather [hbm4b:s6+s4], $0x6400, $0x38;
	[tilespmem:$0x1E440] =	vst v63  }
0x16: {  	_ =	swait.ge [sflag:s9], $0x6400  }
0x17: {  	[sflag:s9] =	ssyncset.done $0x0  }
0x18: {  	[sflag:s9] =	ssyncadd.s32 $0xFFFF9C00  }
0x19: {  	[tilespmem:s10], [sflag:$0x5] =	stream.linear.gather [hbm4b:s2+s4], $0x40, $0x38;
	[tilespmem:$0x1E440] =	vst v63  }
0x1a: {  	_ =	swait.ge [sflag:s9], $0x40  }
0x1b: {  	[sflag:s9] =	ssyncset.done $0x0  }
0x1c: {  	[sflag:s9] =	ssyncadd.s32 $0xFFFFFFC0  }
0x1d: {  	v0 =	vld [tilespmem:$0x1E400]  }
.Ltmp2:
0x1e: {  	v3 =	vld [tilespmem:$0x1E430];
	(pc) =	sbr.rel .LBB2_2-.Ltmp2, $4  }
0x1f: {  	v1 =	vld [tilespmem:$0x1E410]  }
0x20: {  	v2 =	vld [tilespmem:$0x1E420];
	[tilespmem:s12], [sflag:$0x1] =	stream.indirect.gather [hbm4b:s5+s11], $0x40, s4, s11, $0xb8  }
0x21: {  	s23 =	simm.s32 $0x0  }
0x22: {  	[tilespmem:s13], [sflag:$0x1] =	stream.indirect.gather [hbm4b:s5+s11], $0x40, s11, s11, $0xb8;
	[tilespmem:$0x1E440] =	vst v63  }
.LBB2_22:
0x23: {  	s23 =	sadd.s32 $0x1, s23  }
0x24: {  	p0 =	sne.s32 s23, $0x64  }
.Ltmp3:
0x25: {  	_ = 	snop;
	(pc) =	sbr.rel @!p0 .LBB2_23-.Ltmp3, $1  }
0x26: {  	_ =	sdelay $0x3  }
.LBB2_2:
0x27: {  	s24 =	sand.u32 $0x1, s23  }
0x28: {  	p0 =	seq.s32 s24, $0x1  }
.Ltmp4:
0x29: {  	_ = 	snop;
	(pc) =	sbr.rel @p0 .LBB2_14-.Ltmp4, $1  }
0x2a: {  	_ =	sdelay $0x3  }
0x2b: {  	s24 =	sshll.u32 s23, $0x8  }
0x2c: {  	s24 =	sand.u32 $0x3FFFFF00, s24  }
0x2d: {  	s25 =	sadd.s32 $0x100, s24  }
0x2e: {  	[tilespmem:s14], [sflag:$0x2] =	stream.indirect.gather [hbm4b:s5+s11], $0x40, s25, s11, $0xb8;
	[tilespmem:$0x1E440] =	vst v63  }
0x2f: {  	s24 =	sadd.s32 $0x180, s24  }
0x30: {  	[tilespmem:s15], [sflag:$0x2] =	stream.indirect.gather [hbm4b:s5+s11], $0x40, s24, s11, $0xb8;
	[tilespmem:$0x1E440] =	vst v63  }
0x31: {  	p0 =	slt.u32 s23, $0x4;
	s24 =	sand.u32 $0x2, s23  }
0x32: {  	p1 =	sne.s32 @!p0 s24, $0x0  }
0x33: {  	_ =	swait.ge [sflag:s16], $0x2000;
	p1 =	por p0, p1  }
.Ltmp5:
0x34: {  	[sflag:s16] =	ssyncset.done $0x0;
	(pc) =	sbr.rel @p1 .LBB2_5-.Ltmp5, $4  }
0x35: {  	[sflag:s16] =	ssyncadd.s32 $0xFFFFE000  }
0x36: {  	_ =	swait.ge [sflag:s16], $0x2000  }
0x37: {  	[sflag:s16] =	ssyncset.done $0x0  }
0x38: {  	[sflag:s16] =	ssyncadd.s32 $0xFFFFE000  }
0x39: {  	_ =	swait.ge [sflag:s17], $0x8000  }
0x3a: {  	[sflag:s17] =	ssyncset.done $0x0  }
0x3b: {  	p0 =	por $0x0, $0x0;
	[sflag:s17] =	ssyncadd.s32 $0xFFFF8000  }
.LBB2_8:
0x3c: {  	s30 =	simm.s32 $0x6480  }
0x3d: {  	v4 =	vld [tilespmem:s30+$0x40]  }
0x3e: {  	v5 =	vld [tilespmem:s30+$0xFFFFFFC0];
	_ =	sdelay $0x2  }
0x3f: {  	v6 =	vld [tilespmem:s30+$0x0]  }
0x40: {  	v7 =	vld [tilespmem:s30+$0xFFFFFF80];
	v4 =	vmul.f32 $8.000000000e+00, v4  }
0x41: {  	v5 =	vmul.f32 $8.000000000e+00, v5  }
0x42: {  	v4 =	vadd.f32 v4, v0  }
0x43: {  	s24 =	simm.s32 $0xE480;
	v5 =	vadd.f32 v5, v0  }
0x44: {  	v6 =	vmul.f32 $8.000000000e+00, v6;
	[tilespmem:s24+$0x40] =	vst v4  }
0x45: {  	v4 =	vmul.f32 $8.000000000e+00, v7;
	[tilespmem:s24+$0xFFFFFFC0] =	vst v5;
	v5 =	vld [tilespmem:s30+$0x50]  }
0x46: {  	v6 =	vadd.f32 v6, v0;
	v7 =	vld [tilespmem:s30+$0xFFFFFFD0]  }
0x47: {  	v4 =	vadd.f32 v4, v0  }
0x48: {  	[tilespmem:s24+$0x0] =	vst v6  }
0x49: {  	[tilespmem:s24+$0xFFFFFF80] =	vst v4;
	v4 =	vld [tilespmem:s30+$0x10]  }
0x4a: {  	s26 =	simm.s32 $0x6580;
	v6 =	vld [tilespmem:s30+$0xFFFFFF90];
	v5 =	vmul.f32 $8.000000000e+00, v5  }
0x4b: {  	v8 =	vld [tilespmem:s26+$0x40];
	v7 =	vmul.f32 $8.000000000e+00, v7  }
0x4c: {  	v9 =	vld [tilespmem:s26+$0xFFFFFFC0];
	v5 =	vadd.f32 v5, v1  }
0x4d: {  	v10 =	vld [tilespmem:s26+$0x0];
	v7 =	vadd.f32 v7, v1  }
0x4e: {  	v11 =	vld [tilespmem:s26+$0xFFFFFF80];
	v4 =	vmul.f32 $8.000000000e+00, v4;
	[tilespmem:s24+$0x50] =	vst v5  }
0x4f: {  	v5 =	vmul.f32 $8.000000000e+00, v6;
	[tilespmem:s24+$0xFFFFFFD0] =	vst v7;
	v6 =	vld [tilespmem:s30+$0x60]  }
0x50: {  	v7 =	vmul.f32 $8.000000000e+00, v8;
	v4 =	vadd.f32 v4, v1;
	v8 =	vld [tilespmem:s30+$0xFFFFFFE0]  }
0x51: {  	v9 =	vmul.f32 $8.000000000e+00, v9;
	v5 =	vadd.f32 v5, v1  }
0x52: {  	v7 =	vadd.f32 v7, v0;
	[tilespmem:s24+$0x10] =	vst v4;
	v4 =	vmul.f32 $8.000000000e+00, v10  }
0x53: {  	s25 =	simm.s32 $0xE580;
	v9 =	vadd.f32 v9, v0;
	v10 =	vmul.f32 $8.000000000e+00, v11;
	[tilespmem:s24+$0xFFFFFF90] =	vst v5;
	v5 =	vld [tilespmem:s30+$0x20]  }
0x54: {  	[tilespmem:s25+$0x40] =	vst v7;
	v11 =	vld [tilespmem:s30+$0xFFFFFFA0];
	v4 =	vadd.f32 v4, v0;
	v6 =	vmul.f32 $8.000000000e+00, v6  }
0x55: {  	[tilespmem:s25+$0xFFFFFFC0] =	vst v9;
	v7 =	vadd.f32 v10, v0;
	v9 =	vld [tilespmem:s26+$0x50];
	v8 =	vmul.f32 $8.000000000e+00, v8  }
0x56: {  	v10 =	vld [tilespmem:s26+$0xFFFFFFD0];
	[tilespmem:s25+$0x0] =	vst v4;
	v4 =	vadd.f32 v6, v2  }
0x57: {  	[tilespmem:s25+$0xFFFFFF80] =	vst v7;
	v6 =	vld [tilespmem:s26+$0x10];
	v7 =	vadd.f32 v8, v2  }
0x58: {  	v8 =	vld [tilespmem:s26+$0xFFFFFF90];
	v5 =	vmul.f32 $8.000000000e+00, v5;
	[tilespmem:s24+$0x60] =	vst v4  }
0x59: {  	v4 =	vmul.f32 $8.000000000e+00, v11;
	[tilespmem:s24+$0xFFFFFFE0] =	vst v7;
	v7 =	vld [tilespmem:s30+$0x70]  }
0x5a: {  	s28 =	simm.s32 $0x6680;
	v9 =	vmul.f32 $8.000000000e+00, v9;
	v5 =	vadd.f32 v5, v2;
	v11 =	vld [tilespmem:s30+$0xFFFFFFF0]  }
0x5b: {  	v12 =	vld [tilespmem:s28+$0x40];
	v10 =	vmul.f32 $8.000000000e+00, v10;
	v4 =	vadd.f32 v4, v2  }
0x5c: {  	v9 =	vadd.f32 v9, v1;
	[tilespmem:s24+$0x20] =	vst v5;
	v5 =	vld [tilespmem:s28+$0xFFFFFFC0];
	v6 =	vmul.f32 $8.000000000e+00, v6  }
0x5d: {  	v10 =	vadd.f32 v10, v1;
	v8 =	vmul.f32 $8.000000000e+00, v8;
	[tilespmem:s24+$0xFFFFFFA0] =	vst v4;
	v4 =	vld [tilespmem:s28+$0x0]  }
0x5e: {  	v13 =	vld [tilespmem:s28+$0xFFFFFF80];
	[tilespmem:s25+$0x50] =	vst v9;
	v6 =	vadd.f32 v6, v1;
	v7 =	vmul.f32 $8.000000000e+00, v7  }
0x5f: {  	[tilespmem:s25+$0xFFFFFFD0] =	vst v10;
	v8 =	vadd.f32 v8, v1;
	v9 =	vld [tilespmem:s26+$0x60];
	v10 =	vmul.f32 $8.000000000e+00, v11  }
0x60: {  	v11 =	vmul.f32 $8.000000000e+00, v12;
	v12 =	vld [tilespmem:s26+$0xFFFFFFE0];
	[tilespmem:s25+$0x10] =	vst v6;
	v6 =	vadd.f32 v7, v3  }
0x61: {  	[tilespmem:s25+$0xFFFFFF90] =	vst v8;
	v5 =	vmul.f32 $8.000000000e+00, v5;
	v7 =	vld [tilespmem:s26+$0x20];
	v8 =	vadd.f32 v10, v3  }
0x62: {  	v10 =	vadd.f32 v11, v0;
	v11 =	vld [tilespmem:s26+$0xFFFFFFA0];
	v4 =	vmul.f32 $8.000000000e+00, v4;
	[tilespmem:s24+$0x70] =	vst v6  }
0x63: {  	s29 =	simm.s32 $0xE680;
	v6 =	vmul.f32 $8.000000000e+00, v13;
	v5 =	vadd.f32 v5, v0;
	v13 =	vld [tilespmem:s30+$0xFFFFFFB0];
	[tilespmem:s24+$0xFFFFFFF0] =	vst v8  }
0x64: {  	v14 =	vld [tilespmem:s30+$0x30];
	[tilespmem:s29+$0x40] =	vst v10;
	v8 =	vmul.f32 $8.000000000e+00, v9;
	v4 =	vadd.f32 v4, v0  }
0x65: {  	v10 =	vmul.f32 $8.000000000e+00, v12;
	v9 =	vadd.f32 v6, v0;
	[tilespmem:s29+$0xFFFFFFC0] =	vst v5;
	v5 =	vld [tilespmem:s28+$0x50]  }
0x66: {  	v6 =	vld [tilespmem:s28+$0xFFFFFFD0];
	[tilespmem:s29+$0x0] =	vst v4;
	v4 =	vmul.f32 $8.000000000e+00, v7;
	v7 =	vadd.f32 v8, v2  }
0x67: {  	v8 =	vmul.f32 $8.000000000e+00, v11;
	v12 =	vadd.f32 v10, v2;
	[tilespmem:s29+$0xFFFFFF80] =	vst v9;
	v9 =	vld [tilespmem:s28+$0x10]  }
0x68: {  	v10 =	vld [tilespmem:s28+$0xFFFFFF90];
	v15 =	vadd.f32 v4, v2;
	[tilespmem:s25+$0x60] =	vst v7;
	v13 =	vmul.f32 $8.000000000e+00, v13  }
0x69: {  	v11 =	vadd.f32 v8, v2;
	[tilespmem:s25+$0xFFFFFFE0] =	vst v12;
	v7 =	vmul.f32 $8.000000000e+00, v14;
	v4 =	vld [tilespmem:s26+$0x70]  }
0x6a: {  	s31 =	simm.s32 $0x6780;
	s30 =	simm.s32 $0x8;
	v12 =	vmul.f32 $8.000000000e+00, v5;
	v5 =	vld [tilespmem:s26+$0xFFFFFFF0];
	[tilespmem:s25+$0x20] =	vst v15;
	v8 =	vadd.f32 v13, v3  }
.LBB2_9:
0x6b: {  	v13 =	vld [tilespmem:s31+$0x40];
	s30 =	sadd.s32 $0x4, s30;
	v6 =	vmul.f32 $8.000000000e+00, v6;
	[tilespmem:s25+$0xFFFFFFA0] =	vst v11;
	v7 =	vadd.f32 v7, v3  }
0x6c: {  	v11 =	vld [tilespmem:s31+$0xFFFFFFC0];
	p1 =	slt.u32 s30, $0xFC;
	v9 =	vmul.f32 $8.000000000e+00, v9;
	v12 =	vadd.f32 v12, v1;
	[tilespmem:s24+$0xFFFFFFB0] =	vst v8  }
0x6d: {  	v8 =	vld [tilespmem:s31+$0x0];
	v10 =	vmul.f32 $8.000000000e+00, v10;
	v6 =	vadd.f32 v6, v1;
	[tilespmem:s24+$0x30] =	vst v7;
	s24 =	smov.u32 s25;
	s25 =	smov.u32 s29  }
0x6e: {  	v7 =	vld [tilespmem:s31+$0xFFFFFF80];
	v9 =	vadd.f32 v9, v1;
	[tilespmem:s29+$0x50] =	vst v12;
	v4 =	vmul.f32 $8.000000000e+00, v4  }
0x6f: {  	v10 =	vadd.f32 v10, v1;
	[tilespmem:s29+$0xFFFFFFD0] =	vst v6;
	v6 =	vld [tilespmem:s28+$0x60];
	v5 =	vmul.f32 $8.000000000e+00, v5  }
0x70: {  	v12 =	vmul.f32 $8.000000000e+00, v13;
	v13 =	vld [tilespmem:s28+$0xFFFFFFE0];
	[tilespmem:s29+$0x10] =	vst v9;
	v4 =	vadd.f32 v4, v3  }
0x71: {  	v9 =	vmul.f32 $8.000000000e+00, v11;
	[tilespmem:s29+$0xFFFFFF90] =	vst v10;
	v10 =	vld [tilespmem:s28+$0x20];
	v5 =	vadd.f32 v5, v3  }
0x72: {  	v8 =	vmul.f32 $8.000000000e+00, v8;
	v11 =	vadd.f32 v12, v0;
	v12 =	vld [tilespmem:s28+$0xFFFFFFA0];
	[tilespmem:s24+$0x70] =	vst v4  }
0x73: {  	s29 =	sadd.s32 $0x100, s29;
	v4 =	vmul.f32 $8.000000000e+00, v7;
	v7 =	vadd.f32 v9, v0;
	v14 =	vld [tilespmem:s26+$0xFFFFFFB0];
	[tilespmem:s24+$0xFFFFFFF0] =	vst v5  }
0x74: {  	v5 =	vadd.f32 v8, v0;
	[tilespmem:s29+$0x40] =	vst v11;
	v8 =	vmul.f32 $8.000000000e+00, v6;
	v15 =	vld [tilespmem:s26+$0x30];
	s26 =	smov.u32 s28;
	s28 =	smov.u32 s31  }
0x75: {  	v4 =	vadd.f32 v4, v0;
	[tilespmem:s29+$0xFFFFFFC0] =	vst v7;
	v16 =	vld [tilespmem:s31+$0x50];
	v7 =	vmul.f32 $8.000000000e+00, v13  }
.Ltmp6:
0x76: {  	v6 =	vld [tilespmem:s31+$0xFFFFFFD0];
	[tilespmem:s29+$0x0] =	vst v5;
	v5 =	vmul.f32 $8.000000000e+00, v10;
	v8 =	vadd.f32 v8, v2;
	(pc) =	sbr.rel @p1 .LBB2_9-.Ltmp6, $4  }
0x77: {  	[tilespmem:s29+$0xFFFFFF80] =	vst v4;
	v9 =	vld [tilespmem:s31+$0x10];
	v4 =	vmul.f32 $8.000000000e+00, v12;
	v7 =	vadd.f32 v7, v2  }
0x78: {  	v10 =	vld [tilespmem:s31+$0xFFFFFF90];
	v13 =	vadd.f32 v5, v2;
	[tilespmem:s25+$0x60] =	vst v8;
	v8 =	vmul.f32 $8.000000000e+00, v14  }
0x79: {  	v11 =	vadd.f32 v4, v2;
	[tilespmem:s25+$0xFFFFFFE0] =	vst v7;
	v4 =	vld [tilespmem:s26+$0x70];
	v7 =	vmul.f32 $8.000000000e+00, v15  }
0x7a: {  	s31 =	sadd.s32 $0x100, s31;
	v12 =	vmul.f32 $8.000000000e+00, v16;
	v5 =	vld [tilespmem:s26+$0xFFFFFFF0];
	[tilespmem:s25+$0x20] =	vst v13;
	v8 =	vadd.f32 v8, v3  }
0x7b: {  	_ = 	snop  }
0x7c: {  	v6 =	vmul.f32 $8.000000000e+00, v6  }
0x7d: {  	v12 =	vadd.f32 v12, v1;
	v10 =	vmul.f32 $8.000000000e+00, v10  }
0x7e: {  	v9 =	vmul.f32 $8.000000000e+00, v9;
	v6 =	vadd.f32 v6, v1  }
0x7f: {  	[tilespmem:s29+$0x50] =	vst v12;
	v10 =	vadd.f32 v10, v1  }
0x80: {  	v9 =	vadd.f32 v9, v1;
	[tilespmem:s29+$0xFFFFFFD0] =	vst v6;
	v50 =	vld [tilespmem:s28+$0x60]  }
0x81: {  	v51 =	vld [tilespmem:s28+$0xFFFFFFE0];
	[tilespmem:s29+$0xFFFFFF90] =	vst v10  }
0x82: {  	[tilespmem:s29+$0x10] =	vst v9;
	v52 =	vld [tilespmem:s28+$0xFFFFFFA0]  }
0x83: {  	v53 =	vld [tilespmem:s28+$0x20];
	_ =	sdelay $0x1  }
0x84: {  	v6 =	vmul.f32 $8.000000000e+00, v50  }
0x85: {  	v12 =	vmul.f32 $8.000000000e+00, v51  }
0x86: {  	[tilespmem:s25+$0xFFFFFFA0] =	vst v11;
	v6 =	vadd.f32 v6, v2;
	v9 =	vmul.f32 $8.000000000e+00, v52  }
0x87: {  	v11 =	vld [tilespmem:s26+$0xFFFFFFB0];
	v10 =	vmul.f32 $8.000000000e+00, v53;
	v12 =	vadd.f32 v12, v2  }
0x88: {  	v54 =	vld [tilespmem:s26+$0x30];
	[tilespmem:s29+$0x60] =	vst v6;
	v9 =	vadd.f32 v9, v2  }
0x89: {  	v10 =	vadd.f32 v10, v2;
	[tilespmem:s29+$0xFFFFFFE0] =	vst v12;
	v55 =	vld [tilespmem:s28+$0x70]  }
0x8a: {  	v4 =	vmul.f32 $8.000000000e+00, v4;
	v56 =	vld [tilespmem:s28+$0xFFFFFFF0];
	[tilespmem:s29+$0xFFFFFFA0] =	vst v9  }
0x8b: {  	v7 =	vadd.f32 v7, v3;
	v5 =	vmul.f32 $8.000000000e+00, v5;
	[tilespmem:s29+$0x20] =	vst v10;
	v57 =	vld [tilespmem:s28+$0xFFFFFFB0]  }
0x8c: {  	[tilespmem:s24+$0xFFFFFFB0] =	vst v8;
	v4 =	vadd.f32 v4, v3;
	v58 =	vmul.f32 $8.000000000e+00, v11;
	v59 =	vld [tilespmem:s28+$0x30]  }
0x8d: {  	[tilespmem:s24+$0x30] =	vst v7;
	v5 =	vadd.f32 v5, v3;
	v6 =	vmul.f32 $8.000000000e+00, v54  }
0x8e: {  	[tilespmem:s25+$0x70] =	vst v4;
	v4 =	vadd.f32 v58, v3;
	v60 =	vmul.f32 $8.000000000e+00, v55  }
0x8f: {  	[tilespmem:s25+$0xFFFFFFF0] =	vst v5;
	v5 =	vadd.f32 v6, v3;
	v61 =	vmul.f32 $8.000000000e+00, v56  }
0x90: {  	[tilespmem:s25+$0xFFFFFFB0] =	vst v4;
	v4 =	vadd.f32 v60, v3;
	v62 =	vmul.f32 $8.000000000e+00, v57  }
.Ltmp7:
0x91: {  	[tilespmem:s25+$0x30] =	vst v5;
	v63 =	vmul.f32 $8.000000000e+00, v59;
	v5 =	vadd.f32 v61, v3;
	(pc) =	sbr.rel @!p0 .LBB2_22-.Ltmp7, $4  }
.Ltmp8:
0x92: {  	[tilespmem:s29+$0x70] =	vst v4;
	v4 =	vadd.f32 v62, v3;
	(pc) =	sbr.rel @p0 .LBB2_11-.Ltmp8, $4  }
0x93: {  	[tilespmem:s29+$0xFFFFFFF0] =	vst v5;
	v5 =	vadd.f32 v63, v3  }
0x94: {  	[tilespmem:s29+$0xFFFFFFB0] =	vst v4  }
0x95: {  	[tilespmem:s29+$0x30] =	vst v5  }
0x96: {  	_ = 	snop  }
.LBB2_14:
0x97: {  	p0 =	seq.s32 s23, $0x63  }
0x98: {  	s24 =	sshll.u32 @!p0 s23, $0x8  }
0x99: {  	s24 =	sand.u32 @!p0 $0x3FFFFF00, s24  }
0x9a: {  	s26 =	simm.s32 @!p0 $0x80;
	s28 =	simm.s32 @!p0 $0x6400;
	s25 =	sadd.s32 @!p0 $0x100, s24  }
0x9b: {  	[tilespmem:s28], [sflag:$0x1] =	stream.indirect.gather @!p0 [hbm4b:s5+s26], $0x40, s25, s26, $0xb8;
	[tilespmem:$0x1E440] =	vst v63  }
0x9c: {  	s31 =	sand.u32 $0x2, s23;
	s24 =	sadd.s32 @!p0 $0x180, s24;
	s25 =	simm.s32 @!p0 $0x8400  }
0x9d: {  	[tilespmem:s25], [sflag:$0x1] =	stream.indirect.gather @!p0 [hbm4b:s5+s26], $0x40, s24, s26, $0xb8;
	[tilespmem:$0x1E440] =	vst v63  }
0x9e: {  	p0 =	sne.s32 s31, $0x0;
	_ =	swait.ge [sflag:s19], $0x2000  }
.Ltmp9:
0x9f: {  	[sflag:s19] =	ssyncset.done $0x0;
	(pc) =	sbr.rel @p0 .LBB2_18-.Ltmp9, $4  }
0xa0: {  	[sflag:s19] =	ssyncadd.s32 $0xFFFFE000  }
0xa1: {  	_ =	swait.ge [sflag:s19], $0x2000  }
0xa2: {  	[sflag:s19] =	ssyncset.done $0x0  }
0xa3: {  	s24 =	sshrl.u32 s23, $0x1;
	[sflag:s19] =	ssyncadd.s32 $0xFFFFE000  }
0xa4: {  	s25 =	simm.s32 $0x0  }
0xa5: {  	v4 =	vld [tilespmem:s25+$0xA4F0]  }
0xa6: {  	v5 =	vld [tilespmem:s25+$0xA400]  }
0xa7: {  	v6 =	vld [tilespmem:s25+$0xA410]  }
0xa8: {  	v7 =	vld [tilespmem:s25+$0xA420]  }
0xa9: {  	v8 =	vld [tilespmem:s25+$0xA430]  }
0xaa: {  	v9 =	vld [tilespmem:s25+$0xA440];
	v4 =	vmul.f32 $8.000000000e+00, v4  }
0xab: {  	v10 =	vld [tilespmem:s25+$0xA450];
	v5 =	vmul.f32 $8.000000000e+00, v5  }
0xac: {  	v11 =	vld [tilespmem:s25+$0xA460];
	v6 =	vmul.f32 $8.000000000e+00, v6;
	v4 =	vadd.f32 v4, v3  }
0xad: {  	v12 =	vld [tilespmem:s25+$0xA470];
	v7 =	vmul.f32 $8.000000000e+00, v7;
	v5 =	vadd.f32 v5, v0  }
0xae: {  	v13 =	vld [tilespmem:s25+$0xA480];
	v8 =	vmul.f32 $8.000000000e+00, v8;
	v6 =	vadd.f32 v6, v1;
	[tilespmem:s25+$0x124F0] =	vst v4  }
0xaf: {  	v9 =	vmul.f32 $8.000000000e+00, v9;
	[tilespmem:s25+$0x12400] =	vst v5;
	v5 =	vadd.f32 v7, v2;
	v7 =	vld [tilespmem:s25+$0xA490]  }
0xb0: {  	[tilespmem:s25+$0x12410] =	vst v6;
	v6 =	vadd.f32 v8, v3;
	v8 =	vmul.f32 $8.000000000e+00, v10;
	v4 =	vld [tilespmem:s25+$0xA4A0]  }
0xb1: {  	v9 =	vadd.f32 v9, v0;
	v10 =	vmul.f32 $8.000000000e+00, v11;
	[tilespmem:s25+$0x12420] =	vst v5;
	v5 =	vld [tilespmem:s25+$0xA4B0]  }
0xb2: {  	v12 =	vmul.f32 $8.000000000e+00, v12;
	[tilespmem:s25+$0x12430] =	vst v6;
	v11 =	vadd.f32 v8, v1;
	v6 =	vld [tilespmem:s25+$0xA4C0]  }
0xb3: {  	s26 =	simm.s32 $0x0;
	s28 =	simm.s32 $0x400;
	[tilespmem:s25+$0x12440] =	vst v9;
	v9 =	vadd.f32 v10, v2;
	v10 =	vmul.f32 $8.000000000e+00, v13;
	v8 =	vld [tilespmem:s25+$0xA4D0]  }
.LBB2_16:
0xb4: {  	s29 =	sshra.s32 s28, $0x2;
	s26 =	sadd.s32 $0x4, s26;
	[tilespmem:s25+$0x12450] =	vst v11;
	v11 =	vadd.f32 v12, v3;
	v7 =	vmul.f32 $8.000000000e+00, v7;
	v12 =	vld [tilespmem:s25+$0xA4E0]  }
0xb5: {  	v13 =	vld [tilespmem:s29+$0xA4F0];
	p0 =	slt.u32 s26, $0xFC;
	[tilespmem:s25+$0x12460] =	vst v9;
	v9 =	vadd.f32 v10, v0;
	v4 =	vmul.f32 $8.000000000e+00, v4  }
0xb6: {  	v10 =	vld [tilespmem:s29+$0xA400];
	[tilespmem:s25+$0x12470] =	vst v11;
	v7 =	vadd.f32 v7, v1;
	v5 =	vmul.f32 $8.000000000e+00, v5  }
0xb7: {  	v11 =	vld [tilespmem:s29+$0xA410];
	[tilespmem:s25+$0x12480] =	vst v9;
	v4 =	vadd.f32 v4, v2;
	v6 =	vmul.f32 $8.000000000e+00, v6  }
0xb8: {  	v9 =	vld [tilespmem:s29+$0xA420];
	[tilespmem:s25+$0x12490] =	vst v7;
	v5 =	vadd.f32 v5, v3;
	v7 =	vmul.f32 $8.000000000e+00, v8  }
0xb9: {  	v8 =	vld [tilespmem:s29+$0xA430];
	[tilespmem:s25+$0x124A0] =	vst v4;
	v4 =	vadd.f32 v6, v0;
	v6 =	vmul.f32 $8.000000000e+00, v12  }
0xba: {  	v12 =	vld [tilespmem:s29+$0xA440];
	v13 =	vmul.f32 $8.000000000e+00, v13;
	[tilespmem:s25+$0x124B0] =	vst v5;
	v5 =	vadd.f32 v7, v1  }
0xbb: {  	v7 =	vmul.f32 $8.000000000e+00, v10;
	v10 =	vld [tilespmem:s29+$0xA450];
	[tilespmem:s25+$0x124C0] =	vst v4;
	v4 =	vadd.f32 v6, v2  }
0xbc: {  	v6 =	vmul.f32 $8.000000000e+00, v11;
	v11 =	vld [tilespmem:s29+$0xA460];
	v13 =	vadd.f32 v13, v3;
	[tilespmem:s25+$0x124D0] =	vst v5  }
0xbd: {  	v5 =	vadd.f32 v7, v0;
	v7 =	vmul.f32 $8.000000000e+00, v9;
	v9 =	vld [tilespmem:s29+$0xA470];
	[tilespmem:s25+$0x124E0] =	vst v4;
	s25 =	smov.u32 s29  }
0xbe: {  	v4 =	vadd.f32 v6, v1;
	v6 =	vmul.f32 $8.000000000e+00, v8;
	v8 =	vld [tilespmem:s25+$0xA480];
	[tilespmem:s25+$0x124F0] =	vst v13  }
.Ltmp10:
0xbf: {  	[tilespmem:s25+$0x12400] =	vst v5;
	v5 =	vadd.f32 v7, v2;
	v12 =	vmul.f32 $8.000000000e+00, v12;
	v7 =	vld [tilespmem:s25+$0xA490];
	(pc) =	sbr.rel @p0 .LBB2_16-.Ltmp10, $4  }
0xc0: {  	[tilespmem:s25+$0x12410] =	vst v4;
	v6 =	vadd.f32 v6, v3;
	v10 =	vmul.f32 $8.000000000e+00, v10;
	v4 =	vld [tilespmem:s25+$0xA4A0]  }
0xc1: {  	[tilespmem:s25+$0x12420] =	vst v5;
	v13 =	vadd.f32 v12, v0;
	v14 =	vmul.f32 $8.000000000e+00, v11;
	v5 =	vld [tilespmem:s25+$0xA4B0]  }
0xc2: {  	[tilespmem:s25+$0x12430] =	vst v6;
	v11 =	vadd.f32 v10, v1;
	v12 =	vmul.f32 $8.000000000e+00, v9;
	v6 =	vld [tilespmem:s25+$0xA4C0]  }
0xc3: {  	s28 =	sadd.s32 $0x400, s28;
	[tilespmem:s25+$0x12440] =	vst v13;
	v9 =	vadd.f32 v14, v2;
	v10 =	vmul.f32 $8.000000000e+00, v8;
	v8 =	vld [tilespmem:s25+$0xA4D0]  }
0xc4: {  	[tilespmem:s25+$0x12450] =	vst v11;
	v59 =	vadd.f32 v12, v3;
	v7 =	vmul.f32 $8.000000000e+00, v7;
	v60 =	vld [tilespmem:s25+$0xA4E0]  }
0xc5: {  	[tilespmem:s25+$0x12460] =	vst v9;
	v61 =	vadd.f32 v10, v0;
	v4 =	vmul.f32 $8.000000000e+00, v4  }
0xc6: {  	[tilespmem:s25+$0x12470] =	vst v59;
	v7 =	vadd.f32 v7, v1;
	v5 =	vmul.f32 $8.000000000e+00, v5  }
0xc7: {  	[tilespmem:s25+$0x12480] =	vst v61;
	v4 =	vadd.f32 v4, v2;
	v6 =	vmul.f32 $8.000000000e+00, v6  }
0xc8: {  	[tilespmem:s25+$0x12490] =	vst v7;
	v5 =	vadd.f32 v5, v3;
	v62 =	vmul.f32 $8.000000000e+00, v8  }
0xc9: {  	[tilespmem:s25+$0x124A0] =	vst v4;
	v4 =	vadd.f32 v6, v0;
	v63 =	vmul.f32 $8.000000000e+00, v60  }
0xca: {  	s26 =	sshll.u32 s24, $0xF;
	[tilespmem:s25+$0x124B0] =	vst v5;
	v5 =	vadd.f32 v62, v1  }
0xcb: {  	s26 =	sadd.s32 s7, s26;
	[tilespmem:s25+$0x124C0] =	vst v4;
	v4 =	vadd.f32 v63, v2  }
0xcc: {  	s26 =	sshrl.u32 s26, $0x3;
	[tilespmem:s25+$0x124D0] =	vst v5  }
0xcd: {  	s31 =	sadd.s32 s3, s26;
	[tilespmem:s25+$0x124E0] =	vst v4  }
0xce: {  	[hbm4b:s31+s4] =	stream.linear.scatter [tilespmem:s20], [sflag:$0x3], $0x8000, $0x38;
	[tilespmem:$0x1E440] =	vst v63  }
.LBB2_18:
0xcf: {  	s25 =	sand.u32 $0x1, s24  }
0xd0: {  	p0 =	seq.s32 s25, $0x1  }
.Ltmp11:
0xd1: {  	_ = 	snop;
	(pc) =	sbr.rel @!p0 .LBB2_22-.Ltmp11, $1  }
0xd2: {  	_ =	sdelay $0x3  }
0xd3: {  	s25 =	simm.s32 $0x0  }
0xd4: {  	v4 =	vld [tilespmem:s25+$0xA4F0]  }
0xd5: {  	v5 =	vld [tilespmem:s25+$0xA400]  }
0xd6: {  	v6 =	vld [tilespmem:s25+$0xA410]  }
0xd7: {  	v7 =	vld [tilespmem:s25+$0xA420]  }
0xd8: {  	v8 =	vld [tilespmem:s25+$0xA430]  }
0xd9: {  	v9 =	vld [tilespmem:s25+$0xA440];
	v4 =	vmul.f32 $8.000000000e+00, v4  }
0xda: {  	v10 =	vld [tilespmem:s25+$0xA450];
	v5 =	vmul.f32 $8.000000000e+00, v5  }
0xdb: {  	v11 =	vld [tilespmem:s25+$0xA460];
	v6 =	vmul.f32 $8.000000000e+00, v6;
	v4 =	vadd.f32 v4, v3  }
0xdc: {  	v12 =	vld [tilespmem:s25+$0xA470];
	v7 =	vmul.f32 $8.000000000e+00, v7;
	v5 =	vadd.f32 v5, v0  }
0xdd: {  	v13 =	vld [tilespmem:s25+$0xA480];
	v8 =	vmul.f32 $8.000000000e+00, v8;
	v6 =	vadd.f32 v6, v1;
	[tilespmem:s25+$0x1A4F0] =	vst v4  }
0xde: {  	v9 =	vmul.f32 $8.000000000e+00, v9;
	[tilespmem:s25+$0x1A400] =	vst v5;
	v5 =	vadd.f32 v7, v2;
	v7 =	vld [tilespmem:s25+$0xA490]  }
0xdf: {  	[tilespmem:s25+$0x1A410] =	vst v6;
	v6 =	vadd.f32 v8, v3;
	v8 =	vmul.f32 $8.000000000e+00, v10;
	v4 =	vld [tilespmem:s25+$0xA4A0]  }
0xe0: {  	v9 =	vadd.f32 v9, v0;
	v10 =	vmul.f32 $8.000000000e+00, v11;
	[tilespmem:s25+$0x1A420] =	vst v5;
	v5 =	vld [tilespmem:s25+$0xA4B0]  }
0xe1: {  	v12 =	vmul.f32 $8.000000000e+00, v12;
	[tilespmem:s25+$0x1A430] =	vst v6;
	v11 =	vadd.f32 v8, v1;
	v6 =	vld [tilespmem:s25+$0xA4C0]  }
0xe2: {  	s26 =	simm.s32 $0x0;
	s28 =	simm.s32 $0x400;
	[tilespmem:s25+$0x1A440] =	vst v9;
	v9 =	vadd.f32 v10, v2;
	v10 =	vmul.f32 $8.000000000e+00, v13;
	v8 =	vld [tilespmem:s25+$0xA4D0]  }
.LBB2_20:
0xe3: {  	s29 =	sshra.s32 s28, $0x2;
	s26 =	sadd.s32 $0x4, s26;
	[tilespmem:s25+$0x1A450] =	vst v11;
	v11 =	vadd.f32 v12, v3;
	v7 =	vmul.f32 $8.000000000e+00, v7;
	v12 =	vld [tilespmem:s25+$0xA4E0]  }
0xe4: {  	v13 =	vld [tilespmem:s29+$0xA4F0];
	p0 =	slt.u32 s26, $0xFC;
	[tilespmem:s25+$0x1A460] =	vst v9;
	v9 =	vadd.f32 v10, v0;
	v4 =	vmul.f32 $8.000000000e+00, v4  }
0xe5: {  	v10 =	vld [tilespmem:s29+$0xA400];
	[tilespmem:s25+$0x1A470] =	vst v11;
	v7 =	vadd.f32 v7, v1;
	v5 =	vmul.f32 $8.000000000e+00, v5  }
0xe6: {  	v11 =	vld [tilespmem:s29+$0xA410];
	[tilespmem:s25+$0x1A480] =	vst v9;
	v4 =	vadd.f32 v4, v2;
	v6 =	vmul.f32 $8.000000000e+00, v6  }
0xe7: {  	v9 =	vld [tilespmem:s29+$0xA420];
	[tilespmem:s25+$0x1A490] =	vst v7;
	v5 =	vadd.f32 v5, v3;
	v7 =	vmul.f32 $8.000000000e+00, v8  }
0xe8: {  	v8 =	vld [tilespmem:s29+$0xA430];
	[tilespmem:s25+$0x1A4A0] =	vst v4;
	v4 =	vadd.f32 v6, v0;
	v6 =	vmul.f32 $8.000000000e+00, v12  }
0xe9: {  	v12 =	vld [tilespmem:s29+$0xA440];
	v13 =	vmul.f32 $8.000000000e+00, v13;
	[tilespmem:s25+$0x1A4B0] =	vst v5;
	v5 =	vadd.f32 v7, v1  }
0xea: {  	v7 =	vmul.f32 $8.000000000e+00, v10;
	v10 =	vld [tilespmem:s29+$0xA450];
	[tilespmem:s25+$0x1A4C0] =	vst v4;
	v4 =	vadd.f32 v6, v2  }
0xeb: {  	v6 =	vmul.f32 $8.000000000e+00, v11;
	v11 =	vld [tilespmem:s29+$0xA460];
	v13 =	vadd.f32 v13, v3;
	[tilespmem:s25+$0x1A4D0] =	vst v5  }
0xec: {  	v5 =	vadd.f32 v7, v0;
	v7 =	vmul.f32 $8.000000000e+00, v9;
	v9 =	vld [tilespmem:s29+$0xA470];
	[tilespmem:s25+$0x1A4E0] =	vst v4;
	s25 =	smov.u32 s29  }
0xed: {  	v4 =	vadd.f32 v6, v1;
	v6 =	vmul.f32 $8.000000000e+00, v8;
	v8 =	vld [tilespmem:s25+$0xA480];
	[tilespmem:s25+$0x1A4F0] =	vst v13  }
.Ltmp12:
0xee: {  	[tilespmem:s25+$0x1A400] =	vst v5;
	v5 =	vadd.f32 v7, v2;
	v12 =	vmul.f32 $8.000000000e+00, v12;
	v7 =	vld [tilespmem:s25+$0xA490];
	(pc) =	sbr.rel @p0 .LBB2_20-.Ltmp12, $4  }
0xef: {  	[tilespmem:s25+$0x1A410] =	vst v4;
	v6 =	vadd.f32 v6, v3;
	v10 =	vmul.f32 $8.000000000e+00, v10;
	v4 =	vld [tilespmem:s25+$0xA4A0]  }
0xf0: {  	[tilespmem:s25+$0x1A420] =	vst v5;
	v13 =	vadd.f32 v12, v0;
	v14 =	vmul.f32 $8.000000000e+00, v11;
	v5 =	vld [tilespmem:s25+$0xA4B0]  }
0xf1: {  	[tilespmem:s25+$0x1A430] =	vst v6;
	v11 =	vadd.f32 v10, v1;
	v12 =	vmul.f32 $8.000000000e+00, v9;
	v6 =	vld [tilespmem:s25+$0xA4C0]  }
0xf2: {  	s28 =	sadd.s32 $0x400, s28;
	[tilespmem:s25+$0x1A440] =	vst v13;
	v9 =	vadd.f32 v14, v2;
	v10 =	vmul.f32 $8.000000000e+00, v8;
	v8 =	vld [tilespmem:s25+$0xA4D0]  }
0xf3: {  	[tilespmem:s25+$0x1A450] =	vst v11;
	v59 =	vadd.f32 v12, v3;
	v7 =	vmul.f32 $8.000000000e+00, v7;
	v60 =	vld [tilespmem:s25+$0xA4E0]  }
0xf4: {  	[tilespmem:s25+$0x1A460] =	vst v9;
	v61 =	vadd.f32 v10, v0;
	v4 =	vmul.f32 $8.000000000e+00, v4  }
0xf5: {  	[tilespmem:s25+$0x1A470] =	vst v59;
	v7 =	vadd.f32 v7, v1;
	v5 =	vmul.f32 $8.000000000e+00, v5  }
0xf6: {  	[tilespmem:s25+$0x1A480] =	vst v61;
	v4 =	vadd.f32 v4, v2;
	v6 =	vmul.f32 $8.000000000e+00, v6  }
0xf7: {  	[tilespmem:s25+$0x1A490] =	vst v7;
	v5 =	vadd.f32 v5, v3;
	v62 =	vmul.f32 $8.000000000e+00, v8  }
0xf8: {  	[tilespmem:s25+$0x1A4A0] =	vst v4;
	v4 =	vadd.f32 v6, v0;
	v63 =	vmul.f32 $8.000000000e+00, v60  }
.Ltmp13:
0xf9: {  	s24 =	sshll.u32 s24, $0xF;
	[tilespmem:s25+$0x1A4B0] =	vst v5;
	v5 =	vadd.f32 v62, v1;
	(pc) =	sbr.rel .LBB2_22-.Ltmp13, $4  }
0xfa: {  	s24 =	sadd.s32 s7, s24;
	[tilespmem:s25+$0x1A4C0] =	vst v4;
	v4 =	vadd.f32 v63, v2  }
0xfb: {  	s24 =	sshrl.u32 s24, $0x3;
	[tilespmem:s25+$0x1A4D0] =	vst v5  }
0xfc: {  	s24 =	sadd.s32 s3, s24;
	[tilespmem:s25+$0x1A4E0] =	vst v4  }
0xfd: {  	[hbm4b:s24+s4] =	stream.linear.scatter [tilespmem:s21], [sflag:$0x4], $0x8000, $0x38;
	[tilespmem:$0x1E440] =	vst v63  }
.LBB2_5:
0xfe: {  	p1 =	seq.s32 @!p0 s24, $0x0  }
0xff: {  	p0 =	por p0, p1  }
.Ltmp14:
0x100: {  	_ = 	snop;
	(pc) =	sbr.rel @p0 .LBB2_7-.Ltmp14, $1  }
0x101: {  	_ =	sdelay $0x3  }
0x102: {  	_ =	swait.ge [sflag:s18], $0x8000  }
0x103: {  	[sflag:s18] =	ssyncset.done $0x0  }
0x104: {  	[sflag:s18] =	ssyncadd.s32 $0xFFFF8000  }
.LBB2_11:
0x105: {  	s30 =	simm.s32 $0x6480  }
0x106: {  	v4 =	vld [tilespmem:s30+$0x40]  }
0x107: {  	v5 =	vld [tilespmem:s30+$0xFFFFFFC0];
	_ =	sdelay $0x2  }
0x108: {  	v6 =	vld [tilespmem:s30+$0x0]  }
0x109: {  	v7 =	vld [tilespmem:s30+$0xFFFFFF80];
	v4 =	vmul.f32 $8.000000000e+00, v4  }
0x10a: {  	v5 =	vmul.f32 $8.000000000e+00, v5  }
0x10b: {  	v4 =	vadd.f32 v4, v0  }
0x10c: {  	s24 =	simm.s32 $0x16480;
	v5 =	vadd.f32 v5, v0  }
0x10d: {  	v6 =	vmul.f32 $8.000000000e+00, v6;
	[tilespmem:s24+$0x40] =	vst v4  }
0x10e: {  	v4 =	vmul.f32 $8.000000000e+00, v7;
	[tilespmem:s24+$0xFFFFFFC0] =	vst v5;
	v5 =	vld [tilespmem:s30+$0x50]  }
0x10f: {  	v6 =	vadd.f32 v6, v0;
	v7 =	vld [tilespmem:s30+$0xFFFFFFD0]  }
0x110: {  	v4 =	vadd.f32 v4, v0  }
0x111: {  	[tilespmem:s24+$0x0] =	vst v6  }
0x112: {  	[tilespmem:s24+$0xFFFFFF80] =	vst v4;
	v4 =	vld [tilespmem:s30+$0x10]  }
0x113: {  	s26 =	simm.s32 $0x6580;
	v6 =	vld [tilespmem:s30+$0xFFFFFF90];
	v5 =	vmul.f32 $8.000000000e+00, v5  }
0x114: {  	v8 =	vld [tilespmem:s26+$0x40];
	v7 =	vmul.f32 $8.000000000e+00, v7  }
0x115: {  	v9 =	vld [tilespmem:s26+$0xFFFFFFC0];
	v5 =	vadd.f32 v5, v1  }
0x116: {  	v10 =	vld [tilespmem:s26+$0x0];
	v7 =	vadd.f32 v7, v1  }
0x117: {  	v11 =	vld [tilespmem:s26+$0xFFFFFF80];
	v4 =	vmul.f32 $8.000000000e+00, v4;
	[tilespmem:s24+$0x50] =	vst v5  }
0x118: {  	v5 =	vmul.f32 $8.000000000e+00, v6;
	[tilespmem:s24+$0xFFFFFFD0] =	vst v7;
	v6 =	vld [tilespmem:s30+$0x60]  }
0x119: {  	v7 =	vmul.f32 $8.000000000e+00, v8;
	v4 =	vadd.f32 v4, v1;
	v8 =	vld [tilespmem:s30+$0xFFFFFFE0]  }
0x11a: {  	v9 =	vmul.f32 $8.000000000e+00, v9;
	v5 =	vadd.f32 v5, v1  }
0x11b: {  	v7 =	vadd.f32 v7, v0;
	[tilespmem:s24+$0x10] =	vst v4;
	v4 =	vmul.f32 $8.000000000e+00, v10  }
0x11c: {  	s25 =	simm.s32 $0x16580;
	v9 =	vadd.f32 v9, v0;
	v10 =	vmul.f32 $8.000000000e+00, v11;
	[tilespmem:s24+$0xFFFFFF90] =	vst v5;
	v5 =	vld [tilespmem:s30+$0x20]  }
0x11d: {  	[tilespmem:s25+$0x40] =	vst v7;
	v11 =	vld [tilespmem:s30+$0xFFFFFFA0];
	v4 =	vadd.f32 v4, v0;
	v6 =	vmul.f32 $8.000000000e+00, v6  }
0x11e: {  	[tilespmem:s25+$0xFFFFFFC0] =	vst v9;
	v7 =	vadd.f32 v10, v0;
	v9 =	vld [tilespmem:s26+$0x50];
	v8 =	vmul.f32 $8.000000000e+00, v8  }
0x11f: {  	v10 =	vld [tilespmem:s26+$0xFFFFFFD0];
	[tilespmem:s25+$0x0] =	vst v4;
	v4 =	vadd.f32 v6, v2  }
0x120: {  	[tilespmem:s25+$0xFFFFFF80] =	vst v7;
	v6 =	vld [tilespmem:s26+$0x10];
	v7 =	vadd.f32 v8, v2  }
0x121: {  	v8 =	vld [tilespmem:s26+$0xFFFFFF90];
	v5 =	vmul.f32 $8.000000000e+00, v5;
	[tilespmem:s24+$0x60] =	vst v4  }
0x122: {  	v4 =	vmul.f32 $8.000000000e+00, v11;
	[tilespmem:s24+$0xFFFFFFE0] =	vst v7;
	v7 =	vld [tilespmem:s30+$0x70]  }
0x123: {  	s28 =	simm.s32 $0x6680;
	v9 =	vmul.f32 $8.000000000e+00, v9;
	v5 =	vadd.f32 v5, v2;
	v11 =	vld [tilespmem:s30+$0xFFFFFFF0]  }
0x124: {  	v12 =	vld [tilespmem:s28+$0x40];
	v10 =	vmul.f32 $8.000000000e+00, v10;
	v4 =	vadd.f32 v4, v2  }
0x125: {  	v9 =	vadd.f32 v9, v1;
	[tilespmem:s24+$0x20] =	vst v5;
	v5 =	vld [tilespmem:s28+$0xFFFFFFC0];
	v6 =	vmul.f32 $8.000000000e+00, v6  }
0x126: {  	v10 =	vadd.f32 v10, v1;
	v8 =	vmul.f32 $8.000000000e+00, v8;
	[tilespmem:s24+$0xFFFFFFA0] =	vst v4;
	v4 =	vld [tilespmem:s28+$0x0]  }
0x127: {  	v13 =	vld [tilespmem:s28+$0xFFFFFF80];
	[tilespmem:s25+$0x50] =	vst v9;
	v6 =	vadd.f32 v6, v1;
	v7 =	vmul.f32 $8.000000000e+00, v7  }
0x128: {  	[tilespmem:s25+$0xFFFFFFD0] =	vst v10;
	v8 =	vadd.f32 v8, v1;
	v9 =	vld [tilespmem:s26+$0x60];
	v10 =	vmul.f32 $8.000000000e+00, v11  }
0x129: {  	v11 =	vmul.f32 $8.000000000e+00, v12;
	v12 =	vld [tilespmem:s26+$0xFFFFFFE0];
	[tilespmem:s25+$0x10] =	vst v6;
	v6 =	vadd.f32 v7, v3  }
0x12a: {  	[tilespmem:s25+$0xFFFFFF90] =	vst v8;
	v5 =	vmul.f32 $8.000000000e+00, v5;
	v7 =	vld [tilespmem:s26+$0x20];
	v8 =	vadd.f32 v10, v3  }
0x12b: {  	v10 =	vadd.f32 v11, v0;
	v11 =	vld [tilespmem:s26+$0xFFFFFFA0];
	v4 =	vmul.f32 $8.000000000e+00, v4;
	[tilespmem:s24+$0x70] =	vst v6  }
0x12c: {  	s29 =	simm.s32 $0x16680;
	v6 =	vmul.f32 $8.000000000e+00, v13;
	v5 =	vadd.f32 v5, v0;
	v13 =	vld [tilespmem:s30+$0xFFFFFFB0];
	[tilespmem:s24+$0xFFFFFFF0] =	vst v8  }
0x12d: {  	v14 =	vld [tilespmem:s30+$0x30];
	[tilespmem:s29+$0x40] =	vst v10;
	v8 =	vmul.f32 $8.000000000e+00, v9;
	v4 =	vadd.f32 v4, v0  }
0x12e: {  	v10 =	vmul.f32 $8.000000000e+00, v12;
	v9 =	vadd.f32 v6, v0;
	[tilespmem:s29+$0xFFFFFFC0] =	vst v5;
	v5 =	vld [tilespmem:s28+$0x50]  }
0x12f: {  	v6 =	vld [tilespmem:s28+$0xFFFFFFD0];
	[tilespmem:s29+$0x0] =	vst v4;
	v4 =	vmul.f32 $8.000000000e+00, v7;
	v7 =	vadd.f32 v8, v2  }
0x130: {  	v8 =	vmul.f32 $8.000000000e+00, v11;
	v12 =	vadd.f32 v10, v2;
	[tilespmem:s29+$0xFFFFFF80] =	vst v9;
	v9 =	vld [tilespmem:s28+$0x10]  }
0x131: {  	v10 =	vld [tilespmem:s28+$0xFFFFFF90];
	v15 =	vadd.f32 v4, v2;
	[tilespmem:s25+$0x60] =	vst v7;
	v13 =	vmul.f32 $8.000000000e+00, v13  }
0x132: {  	v11 =	vadd.f32 v8, v2;
	[tilespmem:s25+$0xFFFFFFE0] =	vst v12;
	v7 =	vmul.f32 $8.000000000e+00, v14;
	v4 =	vld [tilespmem:s26+$0x70]  }
0x133: {  	s31 =	simm.s32 $0x6780;
	s30 =	simm.s32 $0x8;
	v12 =	vmul.f32 $8.000000000e+00, v5;
	v5 =	vld [tilespmem:s26+$0xFFFFFFF0];
	[tilespmem:s25+$0x20] =	vst v15;
	v8 =	vadd.f32 v13, v3  }
.LBB2_12:
0x134: {  	v13 =	vld [tilespmem:s31+$0x40];
	s30 =	sadd.s32 $0x4, s30;
	v6 =	vmul.f32 $8.000000000e+00, v6;
	[tilespmem:s25+$0xFFFFFFA0] =	vst v11;
	v7 =	vadd.f32 v7, v3  }
0x135: {  	v11 =	vld [tilespmem:s31+$0xFFFFFFC0];
	p0 =	slt.u32 s30, $0xFC;
	v9 =	vmul.f32 $8.000000000e+00, v9;
	v12 =	vadd.f32 v12, v1;
	[tilespmem:s24+$0xFFFFFFB0] =	vst v8  }
0x136: {  	v8 =	vld [tilespmem:s31+$0x0];
	v10 =	vmul.f32 $8.000000000e+00, v10;
	v6 =	vadd.f32 v6, v1;
	[tilespmem:s24+$0x30] =	vst v7;
	s24 =	smov.u32 s25;
	s25 =	smov.u32 s29  }
0x137: {  	v7 =	vld [tilespmem:s31+$0xFFFFFF80];
	v9 =	vadd.f32 v9, v1;
	[tilespmem:s29+$0x50] =	vst v12;
	v4 =	vmul.f32 $8.000000000e+00, v4  }
0x138: {  	v10 =	vadd.f32 v10, v1;
	[tilespmem:s29+$0xFFFFFFD0] =	vst v6;
	v6 =	vld [tilespmem:s28+$0x60];
	v5 =	vmul.f32 $8.000000000e+00, v5  }
0x139: {  	v12 =	vmul.f32 $8.000000000e+00, v13;
	v13 =	vld [tilespmem:s28+$0xFFFFFFE0];
	[tilespmem:s29+$0x10] =	vst v9;
	v4 =	vadd.f32 v4, v3  }
0x13a: {  	v9 =	vmul.f32 $8.000000000e+00, v11;
	[tilespmem:s29+$0xFFFFFF90] =	vst v10;
	v10 =	vld [tilespmem:s28+$0x20];
	v5 =	vadd.f32 v5, v3  }
0x13b: {  	v8 =	vmul.f32 $8.000000000e+00, v8;
	v11 =	vadd.f32 v12, v0;
	v12 =	vld [tilespmem:s28+$0xFFFFFFA0];
	[tilespmem:s24+$0x70] =	vst v4  }
0x13c: {  	s29 =	sadd.s32 $0x100, s29;
	v4 =	vmul.f32 $8.000000000e+00, v7;
	v7 =	vadd.f32 v9, v0;
	v14 =	vld [tilespmem:s26+$0xFFFFFFB0];
	[tilespmem:s24+$0xFFFFFFF0] =	vst v5  }
0x13d: {  	v5 =	vadd.f32 v8, v0;
	[tilespmem:s29+$0x40] =	vst v11;
	v8 =	vmul.f32 $8.000000000e+00, v6;
	v15 =	vld [tilespmem:s26+$0x30];
	s26 =	smov.u32 s28;
	s28 =	smov.u32 s31  }
0x13e: {  	v4 =	vadd.f32 v4, v0;
	[tilespmem:s29+$0xFFFFFFC0] =	vst v7;
	v16 =	vld [tilespmem:s31+$0x50];
	v7 =	vmul.f32 $8.000000000e+00, v13  }
.Ltmp15:
0x13f: {  	v6 =	vld [tilespmem:s31+$0xFFFFFFD0];
	[tilespmem:s29+$0x0] =	vst v5;
	v5 =	vmul.f32 $8.000000000e+00, v10;
	v8 =	vadd.f32 v8, v2;
	(pc) =	sbr.rel @p0 .LBB2_12-.Ltmp15, $4  }
0x140: {  	[tilespmem:s29+$0xFFFFFF80] =	vst v4;
	v9 =	vld [tilespmem:s31+$0x10];
	v4 =	vmul.f32 $8.000000000e+00, v12;
	v7 =	vadd.f32 v7, v2  }
0x141: {  	v10 =	vld [tilespmem:s31+$0xFFFFFF90];
	v13 =	vadd.f32 v5, v2;
	[tilespmem:s25+$0x60] =	vst v8;
	v8 =	vmul.f32 $8.000000000e+00, v14  }
0x142: {  	v11 =	vadd.f32 v4, v2;
	[tilespmem:s25+$0xFFFFFFE0] =	vst v7;
	v4 =	vld [tilespmem:s26+$0x70];
	v7 =	vmul.f32 $8.000000000e+00, v15  }
0x143: {  	s31 =	sadd.s32 $0x100, s31;
	v12 =	vmul.f32 $8.000000000e+00, v16;
	v5 =	vld [tilespmem:s26+$0xFFFFFFF0];
	[tilespmem:s25+$0x20] =	vst v13;
	v8 =	vadd.f32 v8, v3  }
0x144: {  	_ = 	snop  }
0x145: {  	v6 =	vmul.f32 $8.000000000e+00, v6  }
0x146: {  	v12 =	vadd.f32 v12, v1;
	v10 =	vmul.f32 $8.000000000e+00, v10  }
0x147: {  	v9 =	vmul.f32 $8.000000000e+00, v9;
	v6 =	vadd.f32 v6, v1  }
0x148: {  	[tilespmem:s29+$0x50] =	vst v12;
	v10 =	vadd.f32 v10, v1  }
0x149: {  	v9 =	vadd.f32 v9, v1;
	[tilespmem:s29+$0xFFFFFFD0] =	vst v6;
	v50 =	vld [tilespmem:s28+$0x60]  }
0x14a: {  	v51 =	vld [tilespmem:s28+$0xFFFFFFE0];
	[tilespmem:s29+$0xFFFFFF90] =	vst v10  }
0x14b: {  	[tilespmem:s29+$0x10] =	vst v9;
	v52 =	vld [tilespmem:s28+$0xFFFFFFA0]  }
0x14c: {  	v53 =	vld [tilespmem:s28+$0x20];
	_ =	sdelay $0x1  }
0x14d: {  	v6 =	vmul.f32 $8.000000000e+00, v50  }
0x14e: {  	v12 =	vmul.f32 $8.000000000e+00, v51  }
0x14f: {  	[tilespmem:s25+$0xFFFFFFA0] =	vst v11;
	v6 =	vadd.f32 v6, v2;
	v9 =	vmul.f32 $8.000000000e+00, v52  }
0x150: {  	v11 =	vld [tilespmem:s26+$0xFFFFFFB0];
	v10 =	vmul.f32 $8.000000000e+00, v53;
	v12 =	vadd.f32 v12, v2  }
0x151: {  	v54 =	vld [tilespmem:s26+$0x30];
	[tilespmem:s29+$0x60] =	vst v6;
	v9 =	vadd.f32 v9, v2  }
0x152: {  	v10 =	vadd.f32 v10, v2;
	[tilespmem:s29+$0xFFFFFFE0] =	vst v12;
	v55 =	vld [tilespmem:s28+$0x70]  }
0x153: {  	v4 =	vmul.f32 $8.000000000e+00, v4;
	v56 =	vld [tilespmem:s28+$0xFFFFFFF0];
	[tilespmem:s29+$0xFFFFFFA0] =	vst v9  }
0x154: {  	v7 =	vadd.f32 v7, v3;
	v5 =	vmul.f32 $8.000000000e+00, v5;
	[tilespmem:s29+$0x20] =	vst v10;
	v57 =	vld [tilespmem:s28+$0xFFFFFFB0]  }
0x155: {  	[tilespmem:s24+$0xFFFFFFB0] =	vst v8;
	v4 =	vadd.f32 v4, v3;
	v58 =	vmul.f32 $8.000000000e+00, v11;
	v59 =	vld [tilespmem:s28+$0x30]  }
0x156: {  	[tilespmem:s24+$0x30] =	vst v7;
	v5 =	vadd.f32 v5, v3;
	v6 =	vmul.f32 $8.000000000e+00, v54  }
0x157: {  	[tilespmem:s25+$0x70] =	vst v4;
	v4 =	vadd.f32 v58, v3;
	v60 =	vmul.f32 $8.000000000e+00, v55  }
0x158: {  	[tilespmem:s25+$0xFFFFFFF0] =	vst v5;
	v5 =	vadd.f32 v6, v3;
	v61 =	vmul.f32 $8.000000000e+00, v56  }
0x159: {  	[tilespmem:s25+$0xFFFFFFB0] =	vst v4;
	v4 =	vadd.f32 v60, v3;
	v62 =	vmul.f32 $8.000000000e+00, v57  }
.Ltmp16:
0x15a: {  	[tilespmem:s25+$0x30] =	vst v5;
	v63 =	vmul.f32 $8.000000000e+00, v59;
	v5 =	vadd.f32 v61, v3;
	(pc) =	sbr.rel .LBB2_22-.Ltmp16, $4  }
0x15b: {  	[tilespmem:s29+$0x70] =	vst v4;
	v4 =	vadd.f32 v62, v3  }
0x15c: {  	[tilespmem:s29+$0xFFFFFFF0] =	vst v5;
	v5 =	vadd.f32 v63, v3  }
0x15d: {  	[tilespmem:s29+$0xFFFFFFB0] =	vst v4  }
0x15e: {  	[tilespmem:s29+$0x30] =	vst v5  }
.LBB2_7:
0x15f: {  	p0 =	sne.s32 s24, $0x0  }
.Ltmp17:
0x160: {  	_ = 	snop;
	(pc) =	sbr.rel @p0 .LBB2_11-.Ltmp17, $4  }
.Ltmp18:
0x161: {  	_ = 	snop;
	(pc) =	sbr.rel @!p0 .LBB2_8-.Ltmp18, $4  }
0x162: {  	_ = 	snop  }
0x163: {  	_ = 	snop  }
0x164: {  	_ = 	snop  }
0x165: {  	_ = 	snop  }
.LBB2_24:
0x166: {  	_ =	sfence.sel $0x180000  }
0x167: {  	[bflag:$0x0] =	sbarrier.arrive $0xFFFF  }
0x168: {  	p0 =	sne.s32 s0, $0x0;
	_ =	strace $0x90000047  }
0x169: {  	s0 =	sadd.s32 @!p0 $0x100000, s1;
	[bflag:$0x2] =	sbarrier.arrive $0xFFFF  }
0x16a: {  	[sflag:s0] =	ssyncadd.tile.s32 @!p0 $0x1;
	_ =	shalt  }
.Lfunc_end2:
_tile_overlayer_lowered:
.L_overlay_start_2:
0x16b: {  	(tag) =	ssettag $0x2  }
0x16c: {  	s0 =	rddreg [dreg:$0x0];
	s2 =	stileid.u32  }
0x16d: {  	s1 =	rddreg [dreg:$0x1];
	p0 =	sne.s32 s2, $0x0  }
0x16e: {  	s3 =	rddreg [dreg:$0x2];
	[bflag:$0x3] =	sbarrier.arrive $0xFFFF;
	s2 =	simm.s32 @!p0 $0x1C05  }
0x16f: {  	[timem:s3], [sflag:s2] =	dma.local @!p0 [hbm:s0], s1  }
0x170: {  	s0 =	simm.s32 @!p0 $0x5  }
0x171: {  	_ =	swait.ge @!p0 [sflag:s0], s1  }
0x172: {  	s1 =	ssub.s32 @!p0 $0x0, s1;
	[sflag:s0] =	ssyncset.done @!p0 $0x0  }
0x173: {  	[sflag:s0] =	ssyncadd.s32 @!p0 s1  }
0x174: {  	[bflag:$0x3] =	sbarrier.arrive $0xFFFF  }
0x175: {  	_ =	shalt  }

// kernel: sparse-core-data-format-call.cloned.1.call-start
scs
called_computation_lowered:
.L_overlay_start_0:
0x0: {  	s2 =	sld [smem:$0x3FD9]  }
0x1: {  	s3 =	sld [smem:$0x3FFE];
	_ =	sdelay $0x1  }
0x2: {  	s1 =	srdreg.scid  }
0x3: {  	s0 =	sand.u32 $0x1, s1  }
0x4: {  	s18 =	sshll.u32 s0, $0xA;
	s2 =	sadd.s32 s3, s2  }
0x5: {  	s2 =	sadd.s32 s2, s18  }
0x6: {  	[smem:$0x3FC5] =	sst s2  }
0x7: {  	_ = 	snop  }
0x8: {  	s2 =	sld [smem:$0x3FD0];
	(tm) =	ssettm $0x1  }
0x9: {  	s19 =	sld [smem:$0x3FFB];
	_ =	sdelay $0x3  }
0xa: {  	_ =	strace s19  }
0xb: {  	s3 =	sld [smem:$0x3FFC];
	_ =	sdelay $0x3  }
0xc: {  	_ =	strace s3  }
0xd: {  	s3 =	sld [smem:$0x3FFD];
	_ =	sdelay $0x3  }
0xe: {  	_ =	strace s3  }
0xf: {  	_ =	strace $0x8FFFFFFF  }
0x10: {  	s20 =	sld [smem:$0x3FDB];
	_ =	sdelay $0x1  }
0x11: {  	s4 =	simm.s32 $_scs_section_size  }
0x12: {  	s5 =	simm.s32 $_size__tile_overlayer_lowered;
	s6 =	simm.s32 $_tile_overlayer_lowered  }
0x13: {  	s23 =	simm.s32 $0x1BFF;
	s22 =	sshll.u32 s6, $0x1;
	s3 =	sadd.s32 s4, s20  }
0x14: {  	s7 =	simm.s32 $0x0;
	s21 =	sshll.u32 s5, $0x1;
	s5 =	sadd.s32 s22, s3  }
0x15: {  	[timem:s7], [sflag:s23] =	dma.local [hbm:s5], s21  }
0x16: {  	_ =	swait.ge [sflag:s23], s21  }
0x17: {  	s4 =	ssub.s32 $0x0, s21;
	[sflag:s23] =	ssyncset.done $0x0  }
0x18: {  	[sflag:s23] =	ssyncadd.s32 s4;
	_ =	sdelay $0x1  }
0x19: {  	s24 =	simm.s32 $0x1B8B  }
0x1a: {  	_ =	swait.ge [sflag:s24], $0x1  }
0x1b: {  	[sflag:s24] =	ssyncset.done $0x0  }
0x1c: {  	s26 =	simm.s32 $0x1B8E;
	s25 =	sld [smem:$0x3FFE];
	[sflag:s24] =	ssyncadd.s32 $0xFFFFFFFF  }
0x1d: {  	s27 =	simm.s32 $execute0_lowered;
	[smem:$0x3FD2] =	sst s26  }
0x1e: {  	s5 =	sshll.u32 s27, $0x1;
	_ =	strace $0x80000049;
	[dreg:$0x1] =	wrdreg $0xFFFFFFFF  }
0x1f: {  	s28 =	simm.s32 $_size_execute0_lowered;
	s3 =	sadd.s32 s3, s5;
	[dreg:$0x0] =	wrdreg $0x0  }
0x20: {  	s5 =	sshll.u32 s28, $0x1;
	[dreg:$0x2] =	wrdreg s3  }
0x21: {  	[dreg:$0x3] =	wrdreg s5  }
0x22: {  	[dreg:$0x4] =	wrdreg $0xC0  }
0x23: {  	_ =	task [dreg:s7], $0x5FFFF  }
0x24: {  	[dreg:$0x1] =	wrdreg $0xFFFFFFFF  }
0x25: {  	[dreg:$0x0] =	wrdreg $0x60  }
0x26: {  	[dreg:$0x2] =	wrdreg s25  }
0x27: {  	[dreg:$0x3] =	wrdreg s2  }
0x28: {  	[dreg:$0x4] =	wrdreg $0x9  }
0x29: {  	_ =	task.clear_ibuf [dreg:s7], $0x5FFFF;
	_ =	strace $0x90000049  }
0x2a: {  	s29 =	simm.s32 $0x9;
	_ =	strace $0x8000004B  }
0x2b: {  	_ =	swait.ge [sflag:s29], $0x1  }
0x2c: {  	[sflag:s29] =	ssyncadd.s32 $0xFFFFFFFF  }
0x2d: {  	_ =	strace $0x9000004B  }
0x2e: {  	_ =	sfence  }
0x2f: {  	s30 =	sld [smem:$0x0];
	_ =	sdelay $0x2  }
0x30: {  	s31 =	sshll.u32 s1, $0xD;
	s1 =	sshrl.u32 s1, $0x2  }
0x31: {  	s3 =	sand.u32 $0x4000, s31;
	s1 =	sadd.s32 s1, s30  }
0x32: {  	s0 =	sor.u32 s3, s0;
	s1 =	sshll.u32 s1, $0x11  }
0x33: {  	s0 =	sor.u32 s1, s0  }
0x34: {  	s0 =	sadd.s32 $0x8F2B, s0  }
0x35: {  	[sflag:s0] =	ssyncadd.remote.s32 $0x1  }
0x36: {  	_ =	sfence.sel $0xFFFF  }
0x37: {  	[dreg:$0x0] =	wrdreg $0xFFFFFFFF;
	(pc) =	sbr.abs _section_cstart, $3  }
0x38: {  	[dreg:$0x1] =	wrdreg $0xFFFFFFFF  }
0x39: {  	_ =	task.clear_ibuf [dreg:s7], $0x2FFFF;
	_ =	strace $0x9FFFFFFF  }
0x3a: {  	(tm) =	ssettm $0x7FFFFFFF  }
0x3b: {  	_ =	shalt  }
tec
execute0_lowered:
.L_overlay_start_1:
0x0: {  	(tag) =	ssettag $0x1  }
0x1: {  	s0 =	srdreg.scid  }
0x2: {  	s1 =	sshll.u32 s0, $0x4  }
0x3: {  	s0 =	stileid.u32;
	s1 =	sand.u32 $0x10, s1  }
0x4: {  	s1 =	sor.u32 s0, s1  }
0x5: {  	s6 =	rddreg [dreg:$0x0];
	s4 =	simm.s32 $0x1;
	s2 =	sshll.u32 s1, $0x7  }
0x6: {  	s7 =	simm.s32 $0x2;
	s12 =	simm.s32 $0x0;
	s1 =	ssub.s32 $0x1000, s2  }
0x7: {  	s8 =	simm.s32 $0x8000;
	s13 =	simm.s32 $0x0;
	s3 =	sand.u32 $0xF80, s1  }
0x8: {  	s9 =	simm.s32 $0x0;
	s5 =	sshrl.u32 s1, $0xC;
	p0 =	sne.s32 s3, $0x0  }
.Ltmp0:
0x9: {  	s1 =	rddreg [dreg:$0x2];
	s4 =	simm.s32 @!p0 $0x0;
	(pc) =	sbr.rel .LBB1_1-.Ltmp0, $4  }
0xa: {  	s11 =	simm.s32 $0x0;
	s3 =	rddreg [dreg:$0x1];
	s5 =	sadd.s32 s4, s5  }
0xb: {  	_ =	strace $0x8000004A;
	s4 =	simm.s32 $0x1;
	s5 =	smul.u32 $0xC8, s5  }
0xc: {  	s6 =	sadd.s32 $0xA00, s6;
	s10 =	smov.u32 s2;
	[sflag:s4] =	ssyncpa.u1 $0x0  }
0xd: {  	p0 =	por $0x0, $0x0;
	[sflag:s7] =	ssyncpa.u1 $0x0;
	s7 =	sor.u32 $0x1, s5  }
.LBB1_4:
0xe: {  	s16 =	sshll.u32 s13, $0x3;
	s17 =	sand.u32 $0x78, s13  }
0xf: {  	s30 =	sand.u32 $0x7E00, s13;
	s12 =	sshll.u32 s12, $0xF;
	s16 =	sand.u32 $0xC00, s16  }
0x10: {  	[tilespmem:s15+$0x810 ss:$0x81] =	vst.msk $0xffff, v2;
	s31 =	sand.u32 $0x7, s13;
	s16 =	sor.u32 s17, s16;
	s17 =	sadd.s32 s3, s30  }
0x11: {  	[tilespmem:s15+$0x1020 ss:$0x81] =	vst.msk $0xffff, v0;
	s13 =	sshll.u32 s31, $0x12;
	s12 =	sadd.s32 s12, s17;
	s16 =	sshrl.u32 s16, $0x3  }
0x12: {  	[tilespmem:s15+$0x0 ss:$0x81] =	vst.msk $0xffff, v1;
	s13 =	sor.u32 $0x400, s13;
	s12 =	sadd.s32 s16, s12  }
0x13: {  	[hbm4b:s12+s13] =	stream.strided.scatter [tilespmem:s14], [sflag:$0x2], $0x2000, s8, s13, $0x20;
	[tilespmem:$0x8080] =	vst v63  }
.LBB1_5:
0x14: {  	s14 =	sadd.s32 $0x1, s9  }
0x15: {  	s12 =	sadd.s32 $0x1000, s10;
	s16 =	smov.u32 s10;
	p2 =	sgt.s32 s14, $0xC7  }
0x16: {  	s16 =	smov.u32 @p2 s12  }
0x17: {  	s14 =	simm.s32 @p2 $0x0;
	p2 =	sgt.s32 s16, $0xFFF  }
0x18: {  	s16 =	smov.u32 @p2 s2;
	p2 =	sne.s32 s11, s7  }
.Ltmp1:
0x19: {  	p1 =	slt.u32 s11, $0x2;
	(pc) =	sbr.rel @!p2 .LBB1_6-.Ltmp1, $4  }
0x1a: {  	s15 =	simm.s32 @!p1 $0x2  }
0x1b: {  	s13 =	smov.u32 s10;
	p0 =	por !p0, !p0;
	_ =	swait.ge @!p1 [sflag:s15], $0x2000  }
0x1c: {  	s12 =	smov.u32 s9;
	[sflag:s15] =	ssyncset.done @!p1 $0x0;
	s9 =	smov.u32 s14  }
0x1d: {  	s11 =	sadd.s32 $0x1, s11;
	[sflag:s15] =	ssyncadd.s32 @!p1 $0xFFFFE000;
	s10 =	smov.u32 s16  }
.LBB1_1:
0x1e: {  	p1 =	sge.u32 s11, s5  }
0x1f: {  	s14 =	sand.u32 @!p1 $0x1FFFFFF, s9  }
0x20: {  	s15 =	smulhi.u32 @!p1 $0x147AE15, s14;
	_ =	sdelay $0x1  }
0x21: {  	s15 =	smul.u32 @!p1 $0xC8, s15  }
0x22: {  	s16 =	sxor.u32 @!p1 $0xFFFFFFFF, s11;
	s17 =	smul.u32 @!p1 $0xC80, s10  }
0x23: {  	s31 =	sadd.s32 $0xFFFFFFFF, s11;
	s16 =	sshll.u32 @!p1 s16, $0xD;
	s14 =	ssub.s32 @!p1 s14, s15  }
0x24: {  	s15 =	sand.u32 @!p1 $0x2000, s16;
	s16 =	sadd.s32 @!p1 s6, s17;
	s14 =	sshll.u32 @!p1 s14, $0x4  }
0x25: {  	s17 =	simm.s32 @!p1 $0x6400;
	s14 =	sadd.s32 @!p1 s14, s16;
	s16 =	simm.s32 @!p1 $0x40  }
0x26: {  	[tilespmem:s15], [sflag:$0x1] =	stream.strided.gather @!p1 [hbm4b:s14+s16], $0x2000, s17, s16, $0x38;
	[tilespmem:$0x8080] =	vst v63  }
0x27: {  	p1 =	sge.u32 s31, s5  }
.Ltmp2:
0x28: {  	_ = 	snop;
	(pc) =	sbr.rel @p1 .LBB1_5-.Ltmp2, $1  }
0x29: {  	_ =	sdelay $0x3  }
0x2a: {  	s14 =	simm.s32 $0x1  }
0x2b: {  	_ =	swait.ge [sflag:s4], $0x2000;
	s14 =	simm.s32 @!p0 $0x0  }
0x2c: {  	[sflag:s4] =	ssyncset.done $0x0;
	s15 =	sshll.u32 s14, $0xD  }
0x2d: {  	[sflag:s4] =	ssyncadd.s32 $0xFFFFE000;
	s18 =	sor.u32 $0x20, s15  }
0x2e: {  	s14 =	smul.u32 $0x8100, s14;
	v3 =	vld [tilespmem:s18+$0x10]  }
0x2f: {  	s30 =	sand.u32 $0x1, s11;
	v2 =	vld [tilespmem:s18+$0xFFFFFFF0]  }
0x30: {  	s15 =	smul.u32 $0x8100, s30;
	s14 =	sshrl.u32 s14, $0x2;
	v0 =	vld [tilespmem:s18+$0x0]  }
0x31: {  	v1 =	vld [tilespmem:s18+$0xFFFFFFE0];
	s16 =	sor.u32 $0x4000, s14  }
0x32: {  	s31 =	sshrl.u32 s15, $0x2;
	s15 =	sadd.s32 $0x0, s16  }
0x33: {  	s17 =	simm.s32 $0x4;
	s18 =	sadd.s32 $0x40, s18;
	s14 =	sor.u32 $0x4000, s31;
	[tilespmem:s15+$0x1830 ss:$0x81] =	vst.msk $0xffff, v3  }
.LBB1_3:
0x34: {  	v3 =	vld [tilespmem:s18+$0x10];
	p1 =	sne.s32 s17, $0x1FC;
	[tilespmem:s15+$0x810 ss:$0x81] =	vst.msk $0xffff, v2;
	s19 =	smov.u32 s17;
	s17 =	sadd.s32 $0x4, s17  }
.Ltmp3:
0x35: {  	v2 =	vld [tilespmem:s18+$0xFFFFFFF0];
	[tilespmem:s15+$0x1020 ss:$0x81] =	vst.msk $0xffff, v0;
	(pc) =	sbr.rel @p1 .LBB1_3-.Ltmp3, $4  }
0x36: {  	v0 =	vld [tilespmem:s18+$0x0];
	[tilespmem:s15+$0x0 ss:$0x81] =	vst.msk $0xffff, v1  }
0x37: {  	s15 =	sshra.s32 s19, $0x2;
	v1 =	vld [tilespmem:s18+$0xFFFFFFE0]  }
0x38: {  	s15 =	sadd.s32 s15, s16  }
0x39: {  	s18 =	sadd.s32 $0x40, s18;
	[tilespmem:s15+$0x1830 ss:$0x81] =	vst.msk $0xffff, v3  }
.Ltmp4:
0x3a: {  	_ = 	snop;
	(pc) =	sbr.rel .LBB1_4-.Ltmp4, $1  }
0x3b: {  	_ =	sdelay $0x3  }
.LBB1_6:
0x3c: {  	_ =	sfence.sel $0x180000  }
0x3d: {  	s2 =	simm.s32 $0x1;
	[bflag:$0x0] =	sbarrier.arrive $0xFFFF  }
0x3e: {  	s31 =	simm.s32 $0x2;
	[sflag:s2] =	ssyncpa.u1 $0x1  }
0x3f: {  	[sflag:s31] =	ssyncpa.u1 $0x1  }
0x40: {  	p0 =	sne.s32 s0, $0x0;
	_ =	strace $0x9000004A  }
0x41: {  	s0 =	sadd.s32 @!p0 $0x100000, s1;
	[bflag:$0x2] =	sbarrier.arrive $0xFFFF  }
0x42: {  	[sflag:s0] =	ssyncadd.tile.s32 @!p0 $0x1;
	_ =	shalt  }
.Lfunc_end1:
_tile_overlayer_lowered:
.L_overlay_start_2:
0x43: {  	(tag) =	ssettag $0x2  }
0x44: {  	s0 =	rddreg [dreg:$0x0];
	s2 =	stileid.u32  }
0x45: {  	s1 =	rddreg [dreg:$0x1];
	p0 =	sne.s32 s2, $0x0  }
0x46: {  	s3 =	rddreg [dreg:$0x2];
	[bflag:$0x3] =	sbarrier.arrive $0xFFFF;
	s2 =	simm.s32 @!p0 $0x1C01  }
0x47: {  	[timem:s3], [sflag:s2] =	dma.local @!p0 [hbm:s0], s1  }
0x48: {  	s0 =	simm.s32 @!p0 $0x1  }
0x49: {  	_ =	swait.ge @!p0 [sflag:s0], s1  }
0x4a: {  	s1 =	ssub.s32 @!p0 $0x0, s1;
	[sflag:s0] =	ssyncset.done @!p0 $0x0  }
0x4b: {  	[sflag:s0] =	ssyncadd.s32 @!p0 s1  }
0x4c: {  	[bflag:$0x3] =	sbarrier.arrive $0xFFFF  }
0x4d: {  	_ =	shalt  }

</sc_bundles>
